<compile_context>
chip_gen: v7x
topology: tpu7x:2x2x1
jax: 0.10.2.dev20260603
libtpu: 0.0.44.dev20260713+nightly
codegen_flags: <defaults>
</compile_context>

<pallas_src>
import functools

import jax
import jax.numpy as jnp
from jax import lax
from jax.experimental import pallas as pl
from jax.experimental.pallas import tpu as pltpu
from jax.experimental.pallas import tpu_sc as plsc

N = 10000
E = 320000
D = 128
G = 64

NC = 2
NS = 16
NW = NC * NS

NP = 10112
RPT = NP // NS

CHUNK = 128
NCHUNK = 79
EPW = CHUNK * NCHUNK
EPAD = EPW * NW

def _sc_degree_body(dst_hbm, zeros_hbm, out_hbm, didx, deg_v):
    c = lax.axis_index("c")
    s = lax.axis_index("s")
    w = s * NC + c
    pltpu.sync_copy(zeros_hbm, deg_v)
    pltpu.sync_copy(dst_hbm.at[pl.ds(w * EPW, EPW)], didx)
    ones = jnp.ones((16,), jnp.float32)

    @pl.loop(0, EPW // 16)
    def _(j):
        idx = didx[pl.ds(j * 16, 16)]
        plsc.addupdate_scatter(deg_v, [idx], ones)

    pltpu.sync_copy(deg_v, out_hbm.at[w])


def _sc_agg_body(hs_hbm, src_hbm, dst_hbm, zeros_hbm, out_hbm,
                 sidx, didx, rows_v, acc_sh, sem):
    c = lax.axis_index("c")
    s = lax.axis_index("s")
    w = s * NC + c
    pltpu.sync_copy(zeros_hbm.at[pl.ds(s * RPT, RPT)],
                    acc_sh.at[pl.ds(s * RPT, RPT)])
    plsc.subcore_barrier()
    base0 = w * EPW

    @pl.loop(0, NCHUNK)
    def _(j):
        base = base0 + j * CHUNK
        pltpu.sync_copy(src_hbm.at[pl.ds(base, CHUNK)], sidx)
        pltpu.sync_copy(dst_hbm.at[pl.ds(base, CHUNK)], didx)
        pltpu.async_copy(hs_hbm.at[sidx], rows_v, sem).wait()
        pltpu.sync_copy(rows_v, acc_sh.at[didx], add=True)

    plsc.subcore_barrier()
    pltpu.sync_copy(acc_sh.at[pl.ds(s * RPT, RPT)],
                    out_hbm.at[c].at[pl.ds(s * RPT, RPT)])


@functools.cache
def _sc_kernels():
    mesh = plsc.VectorSubcoreMesh(
        core_axis_name="c", subcore_axis_name="s",
        num_cores=NC, num_subcores=NS)
    degree = pl.kernel(
        _sc_degree_body,
        out_type=jax.ShapeDtypeStruct((NW, NP), jnp.float32),
        mesh=mesh,
        scratch_types=[
            pltpu.VMEM((EPW,), jnp.int32),
            pltpu.VMEM((NP,), jnp.float32),
        ],
        compiler_params=pltpu.CompilerParams(needs_layout_passes=False),
    )
    agg = pl.kernel(
        _sc_agg_body,
        out_type=jax.ShapeDtypeStruct((NC, NP, D), jnp.float32),
        mesh=mesh,
        scratch_types=[
            pltpu.VMEM((CHUNK,), jnp.int32),
            pltpu.VMEM((CHUNK,), jnp.int32),
            pltpu.VMEM((CHUNK, D), jnp.float32),
            pltpu.VMEM_SHARED((NP, D), jnp.float32),
            pltpu.SemaphoreType.DMA,
        ],
    )
    return degree, agg


def _dinv_from_parts(degp):
    deg = jnp.sum(degp, axis=0) + 1.0
    return lax.rsqrt(deg)


def _tc_mm0_body(x_ref, w_ref, degp_ref, hs_ref):
    dinv = _dinv_from_parts(degp_ref[...])
    h = jnp.dot(x_ref[...], w_ref[...], preferred_element_type=jnp.float32)
    hs_ref[...] = h * dinv[:, None]


def _tc_mm1_body(aggp_ref, hs0_ref, degp_ref, b0_ref, w1_ref, x1_ref, hs1_ref):
    dinv = _dinv_from_parts(degp_ref[...])
    acc = aggp_ref[0] + aggp_ref[1] + hs0_ref[...]
    x1 = jnp.maximum(acc * dinv[:, None] + b0_ref[...], 0.0)
    rows = lax.broadcasted_iota(jnp.int32, (NP, D), 0)
    x1 = jnp.where(rows < N, x1, 0.0)
    x1_ref[...] = x1
    h1 = jnp.dot(x1, w1_ref[...], preferred_element_type=jnp.float32)
    hs1_ref[...] = h1 * dinv[:, None]


def _tc_head_body(aggp_ref, hs1_ref, degp_ref, b1_ref, x1_ref, wjk_ref,
                  bjk_ref, batch_ref, wf1_ref, bf1_ref, wf2_ref, bf2_ref,
                  out_ref):
    dinv = _dinv_from_parts(degp_ref[...])
    acc = aggp_ref[0] + aggp_ref[1] + hs1_ref[...]
    x2 = jnp.maximum(acc * dinv[:, None] + b1_ref[...], 0.0)
    x1 = x1_ref[...]
    hfin = (jnp.dot(x1, wjk_ref[:D], preferred_element_type=jnp.float32)
            + jnp.dot(x2, wjk_ref[D:], preferred_element_type=jnp.float32)
            + bjk_ref[...])
    gids = lax.broadcasted_iota(jnp.int32, (G, NP), 0)
    onehot = (gids == batch_ref[...]).astype(jnp.float32)
    emb = jnp.dot(onehot, hfin, preferred_element_type=jnp.float32)
    z = jnp.dot(emb, wf1_ref[...], preferred_element_type=jnp.float32)
    z = jnp.maximum((z + bf1_ref[...]) * (1.0 / jnp.sqrt(1.0 + 1e-5)), 0.0)
    out_ref[...] = (jnp.dot(z, wf2_ref[...], preferred_element_type=jnp.float32)
                    + bf2_ref[...])


def kernel(x, edge_index, batch, W0, b0, W1, b1, Wjk, bjk, Wf1, bf1, Wf2, bf2):
    src = edge_index[0]
    dst = edge_index[1]
    pad_e = EPAD - E
    src_p = jnp.concatenate([src, jnp.full((pad_e,), N, jnp.int32)])
    dst_p = jnp.concatenate([dst, jnp.full((pad_e,), N, jnp.int32)])
    x_p = jnp.pad(x, ((0, NP - N), (0, 0)))
    batch_p = jnp.pad(batch, (0, NP - N), constant_values=-1).reshape(1, NP)

    zerosNP = jnp.zeros((NP,), jnp.float32)
    zeros128 = jnp.zeros((NP, D), jnp.float32)

    sc_degree, sc_agg = _sc_kernels()
    degp = sc_degree(dst_p, zerosNP)

    hs0 = pl.pallas_call(
        _tc_mm0_body,
        out_shape=jax.ShapeDtypeStruct((NP, D), jnp.float32),
    )(x_p, W0, degp)

    aggp0 = sc_agg(hs0, src_p, dst_p, zeros128)

    x1, hs1 = pl.pallas_call(
        _tc_mm1_body,
        out_shape=(jax.ShapeDtypeStruct((NP, D), jnp.float32),
                   jax.ShapeDtypeStruct((NP, D), jnp.float32)),
    )(aggp0, hs0, degp, b0.reshape(1, D), W1)

    aggp1 = sc_agg(hs1, src_p, dst_p, zeros128)

    pred = pl.pallas_call(
        _tc_head_body,
        out_shape=jax.ShapeDtypeStruct((G, D), jnp.float32),
    )(aggp1, hs1, degp, b1.reshape(1, D), x1, Wjk, bjk.reshape(1, D),
      batch_p, Wf1, bf1.reshape(1, D), Wf2, bf2.reshape(1, D))

    return pred

# --- scband reference (transcript-rebuilt; emitter-appended) ---
"""Pipeline reference for scband-gcnru-2388001817260 (READ-ONLY COPY).

The authoritative reference and input builder live on the scoring server;
editing this copy changes nothing except your own understanding.
"""

import jax, jax.numpy as jnp
import numpy as np

N = 10000
E = 320000
D = 128
H = 128
OUT = 128
G = 64

def _glorot(key, shape, scale=0.05):
    return jax.random.normal(key, shape, dtype=jnp.float32) * scale

def setup_inputs(seed: int = 0) -> dict:
    key = jax.random.key(seed)
    ks = jax.random.split(key, 16)
    x = jax.random.normal(ks[0], (N, D), dtype=jnp.float32)
    edge_index = jax.random.randint(ks[1], (2, E), 0, N, dtype=jnp.int32)
    batch = jnp.sort(jax.random.randint(ks[2], (N,), 0, G, dtype=jnp.int32))
    inp = {
        'x': x,
        'edge_index': edge_index,
        'batch': batch,
        'W0': _glorot(ks[3], (D, H)), 'b0': jnp.zeros((H,), jnp.float32),
        'W1': _glorot(ks[4], (H, H)), 'b1': jnp.zeros((H,), jnp.float32),
        'Wjk': _glorot(ks[5], (2 * H, H)), 'bjk': jnp.zeros((H,), jnp.float32),
        'Wf1': _glorot(ks[6], (H, H)), 'bf1': jnp.zeros((H,), jnp.float32),
        'Wf2': _glorot(ks[7], (H, OUT)), 'bf2': jnp.zeros((OUT,), jnp.float32),
    }
    return inp

def _gcn_conv(x, src, dst, W, b, n_nodes):
    # GCNConv with add_self_loops=True and symmetric normalization
    deg = jnp.zeros((n_nodes,), jnp.float32).at[dst].add(1.0) + 1.0  # +1 for self-loop
    dinv = 1.0 / jnp.sqrt(deg)
    h = x @ W
    norm = dinv[src] * dinv[dst]
    msg = h[src] * norm[:, None]
    out = jnp.zeros_like(h).at[dst].add(msg)
    out = out + h * (dinv * dinv)[:, None]  # self-loop contribution
    return out + b

def reference(x, edge_index, batch, W0, b0, W1, b1, Wjk, bjk, Wf1, bf1, Wf2, bf2):
    # Eval-mode forward of GCNRU (dropout off; returns pred_o only as in not-training branch)
    src = edge_index[0]
    dst = edge_index[1]
    n_nodes = x.shape[0]
    x1 = jax.nn.relu(_gcn_conv(x, src, dst, W0, b0, n_nodes))
    x2 = jax.nn.relu(_gcn_conv(x1, src, dst, W1, b1, n_nodes))
    # jk='cat' then final lin back to hidden_dim (PyG BasicGNN behavior with out_channels=None)
    xcat = jnp.concatenate([x1, x2], axis=-1)
    hfin = xcat @ Wjk + bjk
    # global_add_pool over graphs
    emb_o = jax.ops.segment_sum(hfin, batch, num_segments=G)
    # PyG MLP([H, H, OUT]) in eval mode: Linear -> BatchNorm(running stats 0/1) -> ReLU -> Linear
    z = emb_o @ Wf1 + bf1
    z = z / jnp.sqrt(1.0 + 1e-5)
    z = jax.nn.relu(z)
    pred_o = z @ Wf2 + bf2
    return pred_o

if __name__ == "__main__":
    import jax
    _d = setup_inputs()
    print(jax.jit(kernel)(*tuple(_d.values())))

</pallas_src>

<mosaic_0001>
#map = affine_map<(d0, d1) -> (0)>
#map1 = affine_map<(d0, d1) -> (0, 0)>
module attributes {stable_mosaic.version = 14 : i64} {
  func.func @_sc_degree_body(%arg0: i32, %arg1: i32, %arg2: memref<323584xi32, #tpu.memory_space<hbm>>, %arg3: memref<10112xf32, #tpu.memory_space<hbm>>, %arg4: memref<32x10112xf32, #tpu.memory_space<hbm>>, %arg5: memref<10112xi32, #tpu.memory_space<vmem>>, %arg6: memref<10112xf32, #tpu.memory_space<vmem>>) attributes {dimension_semantics = [#tpu.dimension_semantics<core_parallel>, #tpu.dimension_semantics<subcore_parallel>], iteration_bounds = array<i64: 2, 16>, scalar_prefetch = 0 : i64, scratch_operands = 2 : i64, tpu.core_type = #tpu.core_type<sc_vector_subcore>, window_params = [{transform_indices = #map}, {transform_indices = #map}, {transform_indices = #map1}]} {
    %mul3A = arith.constant 2 : i32
    %mul3A_0 = arith.muli %arg1, %mul3A : i32
    %add3A = arith.addi %mul3A_0, %arg0 : i32
    "tpu.region"() ({
      %run_scoped3A = tpu.sem_alloc : memref<!tpu.dma_semaphore, #tpu.memory_space<semaphore_mem>>
      tpu.enqueue_dma source(%arg3 : memref<10112xf32, #tpu.memory_space<hbm>>) target(%arg6 : memref<10112xf32, #tpu.memory_space<vmem>>) target_semaphore(%run_scoped3A : memref<!tpu.dma_semaphore, #tpu.memory_space<semaphore_mem>>)
      tpu.wait_dma2 semaphore(%run_scoped3A : memref<!tpu.dma_semaphore, #tpu.memory_space<semaphore_mem>>) src(%arg3 : memref<10112xf32, #tpu.memory_space<hbm>>) dst(%arg6 : memref<10112xf32, #tpu.memory_space<vmem>>)
      tpu.yield
    }) : () -> ()
    %mul3A_1 = arith.constant 10112 : i32
    %mul3A_2 = arith.muli %add3A, %mul3A_1 : i32
    "tpu.region"() ({
      %run_scoped3A = tpu.sem_alloc : memref<!tpu.dma_semaphore, #tpu.memory_space<semaphore_mem>>
      %dma_start3A = tpu.memref_slice %arg2[%mul3A_2] : memref<323584xi32, #tpu.memory_space<hbm>> -> memref<10112xi32, #tpu.memory_space<hbm>>
      %dma_start3A_8 = tpu.memref_slice %arg2[%mul3A_2] : memref<323584xi32, #tpu.memory_space<hbm>> -> memref<10112xi32, #tpu.memory_space<hbm>>
      tpu.enqueue_dma source(%dma_start3A_8 : memref<10112xi32, #tpu.memory_space<hbm>>) target(%arg5 : memref<10112xi32, #tpu.memory_space<vmem>>) target_semaphore(%run_scoped3A : memref<!tpu.dma_semaphore, #tpu.memory_space<semaphore_mem>>)
      %dma_wait3A = tpu.memref_slice %arg2[%mul3A_2] : memref<323584xi32, #tpu.memory_space<hbm>> -> memref<10112xi32, #tpu.memory_space<hbm>>
      %dma_wait3A_9 = tpu.memref_slice %arg2[%mul3A_2] : memref<323584xi32, #tpu.memory_space<hbm>> -> memref<10112xi32, #tpu.memory_space<hbm>>
      tpu.wait_dma2 semaphore(%run_scoped3A : memref<!tpu.dma_semaphore, #tpu.memory_space<semaphore_mem>>) src(%dma_wait3A_9 : memref<10112xi32, #tpu.memory_space<hbm>>) dst(%arg5 : memref<10112xi32, #tpu.memory_space<vmem>>)
      tpu.yield
    }) : () -> ()
    %broadcast_in_dim3A = arith.constant 1.000000e+00 : f32
    %broadcast_in_dim3A_3 = vector.broadcast %broadcast_in_dim3A : f32 to vector<16xf32>
    %scan3A = arith.constant 0 : i32
    %scan3A_4 = arith.constant 632 : i32
    %scan3A_5 = arith.addi %scan3A, %scan3A_4 : i32
    %scan3A_6 = arith.constant 1 : i32
    scf.for %scan3A_8 = %scan3A to %scan3A_5 step %scan3A_6  : i32 {
      %mul3A_9 = arith.constant 1 : i32
      %mul3A_10 = arith.muli %scan3A_8, %mul3A_9 : i32
      %add3A_11 = arith.constant 0 : i32
      %add3A_12 = arith.addi %add3A_11, %mul3A_10 : i32
      %mul3A_13 = arith.constant 16 : i32
      %mul3A_14 = arith.muli %add3A_12, %mul3A_13 : i32
      %get3A = arith.index_cast %mul3A_14 : i32 to index
      %get3A_15 = tpu.vector_load %arg5[%get3A] {strides = array<i32>} : memref<10112xi32, #tpu.memory_space<vmem>>, vector<16xi32>,
      tpu.vector_store_idx %arg6[%get3A_15], %broadcast_in_dim3A_3 {add = true} : memref<10112xf32, #tpu.memory_space<vmem>>[vector<16xi32>], vector<16xf32>,
    }
    %scan3A_7 = arith.constant 632 : i32
    "tpu.region"() ({
      %run_scoped3A = tpu.sem_alloc : memref<!tpu.dma_semaphore, #tpu.memory_space<semaphore_mem>>
      %dma_start3A = arith.constant 0 : i32
      %dma_start3A_8 = tpu.memref_slice %arg4[%add3A, %dma_start3A] : memref<32x10112xf32, #tpu.memory_space<hbm>> -> memref<1x10112xf32, #tpu.memory_space<hbm>>
      %dma_start3A_9 = tpu.memref_squeeze %dma_start3A_8 : memref<1x10112xf32, #tpu.memory_space<hbm>> -> memref<10112xf32, #tpu.memory_space<hbm>>
      %dma_start3A_10 = arith.constant 0 : i32
      %dma_start3A_11 = tpu.memref_slice %arg4[%add3A, %dma_start3A_10] : memref<32x10112xf32, #tpu.memory_space<hbm>> -> memref<1x10112xf32, #tpu.memory_space<hbm>>
      %dma_start3A_12 = tpu.memref_squeeze %dma_start3A_11 : memref<1x10112xf32, #tpu.memory_space<hbm>> -> memref<10112xf32, #tpu.memory_space<hbm>>
      tpu.enqueue_dma source(%arg6 : memref<10112xf32, #tpu.memory_space<vmem>>) target(%dma_start3A_12 : memref<10112xf32, #tpu.memory_space<hbm>>) target_semaphore(%run_scoped3A : memref<!tpu.dma_semaphore, #tpu.memory_space<semaphore_mem>>)
      %dma_wait3A = arith.constant 0 : i32
      %dma_wait3A_13 = tpu.memref_slice %arg4[%add3A, %dma_wait3A] : memref<32x10112xf32, #tpu.memory_space<hbm>> -> memref<1x10112xf32, #tpu.memory_space<hbm>>
      %dma_wait3A_14 = tpu.memref_squeeze %dma_wait3A_13 : memref<1x10112xf32, #tpu.memory_space<hbm>> -> memref<10112xf32, #tpu.memory_space<hbm>>
      %dma_wait3A_15 = arith.constant 0 : i32
      %dma_wait3A_16 = tpu.memref_slice %arg4[%add3A, %dma_wait3A_15] : memref<32x10112xf32, #tpu.memory_space<hbm>> -> memref<1x10112xf32, #tpu.memory_space<hbm>>
      %dma_wait3A_17 = tpu.memref_squeeze %dma_wait3A_16 : memref<1x10112xf32, #tpu.memory_space<hbm>> -> memref<10112xf32, #tpu.memory_space<hbm>>
      tpu.wait_dma2 semaphore(%run_scoped3A : memref<!tpu.dma_semaphore, #tpu.memory_space<semaphore_mem>>) src(%arg6 : memref<10112xf32, #tpu.memory_space<vmem>>) dst(%dma_wait3A_17 : memref<10112xf32, #tpu.memory_space<hbm>>)
      tpu.yield
    }) : () -> ()
    return
  }
}

#map = affine_map<(d0, d1) -> (0, 0)>
#map1 = affine_map<(d0, d1) -> (0)>
#map2 = affine_map<(d0, d1) -> (0, 0, 0)>
module attributes {stable_mosaic.version = 14 : i64} {
  func.func @_sc_agg_body(%arg0: i32, %arg1: i32, %arg2: memref<10112x128xf32, #tpu.memory_space<hbm>>, %arg3: memref<323584xi32, #tpu.memory_space<hbm>>, %arg4: memref<323584xi32, #tpu.memory_space<hbm>>, %arg5: memref<10112x128xf32, #tpu.memory_space<hbm>>, %arg6: memref<2x10112x128xf32, #tpu.memory_space<hbm>>, %arg7: memref<128xi32, #tpu.memory_space<vmem>>, %arg8: memref<128xi32, #tpu.memory_space<vmem>>, %arg9: memref<128x128xf32, #tpu.memory_space<vmem>>, %arg10: memref<10112x128xf32, #tpu.memory_space<vmem_shared>>, %arg11: memref<!tpu.dma_semaphore, #tpu.memory_space<semaphore_mem>>) attributes {dimension_semantics = [#tpu.dimension_semantics<core_parallel>, #tpu.dimension_semantics<subcore_parallel>], iteration_bounds = array<i64: 2, 16>, scalar_prefetch = 0 : i64, scratch_operands = 5 : i64, tpu.core_type = #tpu.core_type<sc_vector_subcore>, window_params = [{transform_indices = #map}, {transform_indices = #map1}, {transform_indices = #map1}, {transform_indices = #map}, {transform_indices = #map2}]} {
    %mul3A = arith.constant 2 : i32
    %mul3A_0 = arith.muli %arg1, %mul3A : i32
    %add3A = arith.addi %mul3A_0, %arg0 : i32
    %mul3A_1 = arith.constant 632 : i32
    %mul3A_2 = arith.muli %arg1, %mul3A_1 : i32
    %mul3A_3 = arith.constant 632 : i32
    %mul3A_4 = arith.muli %arg1, %mul3A_3 : i32
    "tpu.region"() ({
      %run_scoped3A = tpu.sem_alloc : memref<!tpu.dma_semaphore, #tpu.memory_space<semaphore_mem>>
      %dma_start3A = arith.constant 0 : i32
      %dma_start3A_16 = tpu.memref_slice %arg10[%mul3A_4, %dma_start3A] : memref<10112x128xf32, #tpu.memory_space<vmem_shared>> -> memref<632x128xf32, #tpu.memory_space<vmem_shared>>
      %dma_start3A_17 = arith.constant 0 : i32
      %dma_start3A_18 = tpu.memref_slice %arg5[%mul3A_2, %dma_start3A_17] : memref<10112x128xf32, #tpu.memory_space<hbm>> -> memref<632x128xf32, #tpu.memory_space<hbm>>
      tpu.enqueue_dma source(%dma_start3A_18 : memref<632x128xf32, #tpu.memory_space<hbm>>) target(%dma_start3A_16 : memref<632x128xf32, #tpu.memory_space<vmem_shared>>) target_semaphore(%run_scoped3A : memref<!tpu.dma_semaphore, #tpu.memory_space<semaphore_mem>>)
      %dma_wait3A = arith.constant 0 : i32
      %dma_wait3A_19 = tpu.memref_slice %arg10[%mul3A_4, %dma_wait3A] : memref<10112x128xf32, #tpu.memory_space<vmem_shared>> -> memref<632x128xf32, #tpu.memory_space<vmem_shared>>
      %dma_wait3A_20 = arith.constant 0 : i32
      %dma_wait3A_21 = tpu.memref_slice %arg5[%mul3A_2, %dma_wait3A_20] : memref<10112x128xf32, #tpu.memory_space<hbm>> -> memref<632x128xf32, #tpu.memory_space<hbm>>
      tpu.wait_dma2 semaphore(%run_scoped3A : memref<!tpu.dma_semaphore, #tpu.memory_space<semaphore_mem>>) src(%dma_wait3A_21 : memref<632x128xf32, #tpu.memory_space<hbm>>) dst(%dma_wait3A_19 : memref<632x128xf32, #tpu.memory_space<vmem_shared>>)
      tpu.yield
    }) : () -> ()
    %barrier3A = arith.constant 0 : index
    tpu.barrier barrier_id(%barrier3A)
    %mul3A_5 = arith.constant 10112 : i32
    %mul3A_6 = arith.muli %add3A, %mul3A_5 : i32
    %scan3A = arith.constant 0 : i32
    %scan3A_7 = arith.constant 79 : i32
    %scan3A_8 = arith.addi %scan3A, %scan3A_7 : i32
    %scan3A_9 = arith.constant 1 : i32
    scf.for %scan3A_16 = %scan3A to %scan3A_8 step %scan3A_9  : i32 {
      %mul3A_17 = arith.constant 1 : i32
      %mul3A_18 = arith.muli %scan3A_16, %mul3A_17 : i32
      %add3A_19 = arith.constant 0 : i32
      %add3A_20 = arith.addi %add3A_19, %mul3A_18 : i32
      %mul3A_21 = arith.constant 128 : i32
      %mul3A_22 = arith.muli %add3A_20, %mul3A_21 : i32
      %add3A_23 = arith.addi %mul3A_6, %mul3A_22 : i32
      "tpu.region"() ({
        %run_scoped3A = tpu.sem_alloc : memref<!tpu.dma_semaphore, #tpu.memory_space<semaphore_mem>>
        %dma_start3A_28 = tpu.memref_slice %arg3[%add3A_23] : memref<323584xi32, #tpu.memory_space<hbm>> -> memref<128xi32, #tpu.memory_space<hbm>>
        %dma_start3A_29 = tpu.memref_slice %arg3[%add3A_23] : memref<323584xi32, #tpu.memory_space<hbm>> -> memref<128xi32, #tpu.memory_space<hbm>>
        tpu.enqueue_dma source(%dma_start3A_29 : memref<128xi32, #tpu.memory_space<hbm>>) target(%arg7 : memref<128xi32, #tpu.memory_space<vmem>>) target_semaphore(%run_scoped3A : memref<!tpu.dma_semaphore, #tpu.memory_space<semaphore_mem>>)
        %dma_wait3A_30 = tpu.memref_slice %arg3[%add3A_23] : memref<323584xi32, #tpu.memory_space<hbm>> -> memref<128xi32, #tpu.memory_space<hbm>>
        %dma_wait3A_31 = tpu.memref_slice %arg3[%add3A_23] : memref<323584xi32, #tpu.memory_space<hbm>> -> memref<128xi32, #tpu.memory_space<hbm>>
        tpu.wait_dma2 semaphore(%run_scoped3A : memref<!tpu.dma_semaphore, #tpu.memory_space<semaphore_mem>>) src(%dma_wait3A_31 : memref<128xi32, #tpu.memory_space<hbm>>) dst(%arg7 : memref<128xi32, #tpu.memory_space<vmem>>)
        tpu.yield
      }) : () -> ()
      "tpu.region"() ({
        %run_scoped3A = tpu.sem_alloc : memref<!tpu.dma_semaphore, #tpu.memory_space<semaphore_mem>>
        %dma_start3A_28 = tpu.memref_slice %arg4[%add3A_23] : memref<323584xi32, #tpu.memory_space<hbm>> -> memref<128xi32, #tpu.memory_space<hbm>>
        %dma_start3A_29 = tpu.memref_slice %arg4[%add3A_23] : memref<323584xi32, #tpu.memory_space<hbm>> -> memref<128xi32, #tpu.memory_space<hbm>>
        tpu.enqueue_dma source(%dma_start3A_29 : memref<128xi32, #tpu.memory_space<hbm>>) target(%arg8 : memref<128xi32, #tpu.memory_space<vmem>>) target_semaphore(%run_scoped3A : memref<!tpu.dma_semaphore, #tpu.memory_space<semaphore_mem>>)
        %dma_wait3A_30 = tpu.memref_slice %arg4[%add3A_23] : memref<323584xi32, #tpu.memory_space<hbm>> -> memref<128xi32, #tpu.memory_space<hbm>>
        %dma_wait3A_31 = tpu.memref_slice %arg4[%add3A_23] : memref<323584xi32, #tpu.memory_space<hbm>> -> memref<128xi32, #tpu.memory_space<hbm>>
        tpu.wait_dma2 semaphore(%run_scoped3A : memref<!tpu.dma_semaphore, #tpu.memory_space<semaphore_mem>>) src(%dma_wait3A_31 : memref<128xi32, #tpu.memory_space<hbm>>) dst(%arg8 : memref<128xi32, #tpu.memory_space<vmem>>)
        tpu.yield
      }) : () -> ()
      %dma_start3A = arith.constant 0 : i32
      %dma_start3A_24 = arith.constant 0 : i32
      %dma_start3A_25 = tpu.memref_slice %arg2[%dma_start3A, %dma_start3A_24] : memref<10112x128xf32, #tpu.memory_space<hbm>> -> memref<10112x128xf32, #tpu.memory_space<hbm>>
      tpu.enqueue_indirect_dma source(%dma_start3A_25 : memref<10112x128xf32, #tpu.memory_space<hbm>>) target(%arg9 : memref<128x128xf32, #tpu.memory_space<vmem>>) offsets(%arg7 : memref<128xi32, #tpu.memory_space<vmem>>) semaphore(%arg11 : memref<!tpu.dma_semaphore, #tpu.memory_space<semaphore_mem>>)
      %dma_wait3A = arith.constant 0 : i32
      %dma_wait3A_26 = arith.constant 0 : i32
      %dma_wait3A_27 = tpu.memref_slice %arg2[%dma_wait3A, %dma_wait3A_26] : memref<10112x128xf32, #tpu.memory_space<hbm>> -> memref<10112x128xf32, #tpu.memory_space<hbm>>
      tpu.wait_indirect_dma semaphore(%arg11 : memref<!tpu.dma_semaphore, #tpu.memory_space<semaphore_mem>>) src(%dma_wait3A_27 : memref<10112x128xf32, #tpu.memory_space<hbm>>) dst(%arg9 : memref<128x128xf32, #tpu.memory_space<vmem>>)
      "tpu.region"() ({
        %run_scoped3A = tpu.sem_alloc : memref<!tpu.dma_semaphore, #tpu.memory_space<semaphore_mem>>
        %dma_start3A_28 = arith.constant 0 : i32
        %dma_start3A_29 = arith.constant 0 : i32
        %dma_start3A_30 = tpu.memref_slice %arg10[%dma_start3A_28, %dma_start3A_29] : memref<10112x128xf32, #tpu.memory_space<vmem_shared>> -> memref<10112x128xf32, #tpu.memory_space<vmem_shared>>
        tpu.enqueue_indirect_dma source(%arg9 : memref<128x128xf32, #tpu.memory_space<vmem>>) target(%dma_start3A_30 : memref<10112x128xf32, #tpu.memory_space<vmem_shared>>) offsets(%arg8 : memref<128xi32, #tpu.memory_space<vmem>>) semaphore(%run_scoped3A : memref<!tpu.dma_semaphore, #tpu.memory_space<semaphore_mem>>) {add = true}
        %dma_wait3A_31 = arith.constant 0 : i32
        %dma_wait3A_32 = arith.constant 0 : i32
        %dma_wait3A_33 = tpu.memref_slice %arg10[%dma_wait3A_31, %dma_wait3A_32] : memref<10112x128xf32, #tpu.memory_space<vmem_shared>> -> memref<10112x128xf32, #tpu.memory_space<vmem_shared>>
        tpu.wait_indirect_dma semaphore(%run_scoped3A : memref<!tpu.dma_semaphore, #tpu.memory_space<semaphore_mem>>) src(%arg9 : memref<128x128xf32, #tpu.memory_space<vmem>>) dst(%dma_wait3A_33 : memref<10112x128xf32, #tpu.memory_space<vmem_shared>>)
        tpu.yield
      }) : () -> ()
    }
    %scan3A_10 = arith.constant 79 : i32
    %barrier3A_11 = arith.constant 0 : index
    tpu.barrier barrier_id(%barrier3A_11)
    %mul3A_12 = arith.constant 632 : i32
    %mul3A_13 = arith.muli %arg1, %mul3A_12 : i32
    %mul3A_14 = arith.constant 632 : i32
    %mul3A_15 = arith.muli %arg1, %mul3A_14 : i32
    "tpu.region"() ({
      %run_scoped3A = tpu.sem_alloc : memref<!tpu.dma_semaphore, #tpu.memory_space<semaphore_mem>>
      %dma_start3A = arith.constant 0 : i32
      %dma_start3A_16 = arith.constant 0 : i32
      %dma_start3A_17 = tpu.memref_slice %arg6[%arg0, %dma_start3A, %dma_start3A_16] : memref<2x10112x128xf32, #tpu.memory_space<hbm>> -> memref<1x10112x128xf32, #tpu.memory_space<hbm>>
      %dma_start3A_18 = tpu.memref_squeeze %dma_start3A_17 : memref<1x10112x128xf32, #tpu.memory_space<hbm>> -> memref<10112x128xf32, #tpu.memory_space<hbm>>
      %dma_start3A_19 = arith.constant 0 : i32
      %dma_start3A_20 = tpu.memref_slice %dma_start3A_18[%mul3A_15, %dma_start3A_19] : memref<10112x128xf32, #tpu.memory_space<hbm>> -> memref<632x128xf32, #tpu.memory_space<hbm>>
      %dma_start3A_21 = arith.constant 0 : i32
      %dma_start3A_22 = tpu.memref_slice %arg10[%mul3A_13, %dma_start3A_21] : memref<10112x128xf32, #tpu.memory_space<vmem_shared>> -> memref<632x128xf32, #tpu.memory_space<vmem_shared>>
      tpu.enqueue_dma source(%dma_start3A_22 : memref<632x128xf32, #tpu.memory_space<vmem_shared>>) target(%dma_start3A_20 : memref<632x128xf32, #tpu.memory_space<hbm>>) target_semaphore(%run_scoped3A : memref<!tpu.dma_semaphore, #tpu.memory_space<semaphore_mem>>)
      %dma_wait3A = arith.constant 0 : i32
      %dma_wait3A_23 = arith.constant 0 : i32
      %dma_wait3A_24 = tpu.memref_slice %arg6[%arg0, %dma_wait3A, %dma_wait3A_23] : memref<2x10112x128xf32, #tpu.memory_space<hbm>> -> memref<1x10112x128xf32, #tpu.memory_space<hbm>>
      %dma_wait3A_25 = tpu.memref_squeeze %dma_wait3A_24 : memref<1x10112x128xf32, #tpu.memory_space<hbm>> -> memref<10112x128xf32, #tpu.memory_space<hbm>>
      %dma_wait3A_26 = arith.constant 0 : i32
      %dma_wait3A_27 = tpu.memref_slice %dma_wait3A_25[%mul3A_15, %dma_wait3A_26] : memref<10112x128xf32, #tpu.memory_space<hbm>> -> memref<632x128xf32, #tpu.memory_space<hbm>>
      %dma_wait3A_28 = arith.constant 0 : i32
      %dma_wait3A_29 = tpu.memref_slice %arg10[%mul3A_13, %dma_wait3A_28] : memref<10112x128xf32, #tpu.memory_space<vmem_shared>> -> memref<632x128xf32, #tpu.memory_space<vmem_shared>>
      tpu.wait_dma2 semaphore(%run_scoped3A : memref<!tpu.dma_semaphore, #tpu.memory_space<semaphore_mem>>) src(%dma_wait3A_29 : memref<632x128xf32, #tpu.memory_space<vmem_shared>>) dst(%dma_wait3A_27 : memref<632x128xf32, #tpu.memory_space<hbm>>)
      tpu.yield
    }) : () -> ()
    return
  }
}

#map = affine_map<(d0, d1) -> (0, 0)>
#map1 = affine_map<(d0, d1) -> (0)>
#map2 = affine_map<(d0, d1) -> (0, 0, 0)>
module attributes {stable_mosaic.version = 14 : i64} {
  func.func @_sc_agg_body(%arg0: i32, %arg1: i32, %arg2: memref<10112x128xf32, #tpu.memory_space<hbm>>, %arg3: memref<323584xi32, #tpu.memory_space<hbm>>, %arg4: memref<323584xi32, #tpu.memory_space<hbm>>, %arg5: memref<10112x128xf32, #tpu.memory_space<hbm>>, %arg6: memref<2x10112x128xf32, #tpu.memory_space<hbm>>, %arg7: memref<128xi32, #tpu.memory_space<vmem>>, %arg8: memref<128xi32, #tpu.memory_space<vmem>>, %arg9: memref<128x128xf32, #tpu.memory_space<vmem>>, %arg10: memref<10112x128xf32, #tpu.memory_space<vmem_shared>>, %arg11: memref<!tpu.dma_semaphore, #tpu.memory_space<semaphore_mem>>) attributes {dimension_semantics = [#tpu.dimension_semantics<core_parallel>, #tpu.dimension_semantics<subcore_parallel>], iteration_bounds = array<i64: 2, 16>, scalar_prefetch = 0 : i64, scratch_operands = 5 : i64, tpu.core_type = #tpu.core_type<sc_vector_subcore>, window_params = [{transform_indices = #map}, {transform_indices = #map1}, {transform_indices = #map1}, {transform_indices = #map}, {transform_indices = #map2}]} {
    %mul3A = arith.constant 2 : i32
    %mul3A_0 = arith.muli %arg1, %mul3A : i32
    %add3A = arith.addi %mul3A_0, %arg0 : i32
    %mul3A_1 = arith.constant 632 : i32
    %mul3A_2 = arith.muli %arg1, %mul3A_1 : i32
    %mul3A_3 = arith.constant 632 : i32
    %mul3A_4 = arith.muli %arg1, %mul3A_3 : i32
    "tpu.region"() ({
      %run_scoped3A = tpu.sem_alloc : memref<!tpu.dma_semaphore, #tpu.memory_space<semaphore_mem>>
      %dma_start3A = arith.constant 0 : i32
      %dma_start3A_16 = tpu.memref_slice %arg10[%mul3A_4, %dma_start3A] : memref<10112x128xf32, #tpu.memory_space<vmem_shared>> -> memref<632x128xf32, #tpu.memory_space<vmem_shared>>
      %dma_start3A_17 = arith.constant 0 : i32
      %dma_start3A_18 = tpu.memref_slice %arg5[%mul3A_2, %dma_start3A_17] : memref<10112x128xf32, #tpu.memory_space<hbm>> -> memref<632x128xf32, #tpu.memory_space<hbm>>
      tpu.enqueue_dma source(%dma_start3A_18 : memref<632x128xf32, #tpu.memory_space<hbm>>) target(%dma_start3A_16 : memref<632x128xf32, #tpu.memory_space<vmem_shared>>) target_semaphore(%run_scoped3A : memref<!tpu.dma_semaphore, #tpu.memory_space<semaphore_mem>>)
      %dma_wait3A = arith.constant 0 : i32
      %dma_wait3A_19 = tpu.memref_slice %arg10[%mul3A_4, %dma_wait3A] : memref<10112x128xf32, #tpu.memory_space<vmem_shared>> -> memref<632x128xf32, #tpu.memory_space<vmem_shared>>
      %dma_wait3A_20 = arith.constant 0 : i32
      %dma_wait3A_21 = tpu.memref_slice %arg5[%mul3A_2, %dma_wait3A_20] : memref<10112x128xf32, #tpu.memory_space<hbm>> -> memref<632x128xf32, #tpu.memory_space<hbm>>
      tpu.wait_dma2 semaphore(%run_scoped3A : memref<!tpu.dma_semaphore, #tpu.memory_space<semaphore_mem>>) src(%dma_wait3A_21 : memref<632x128xf32, #tpu.memory_space<hbm>>) dst(%dma_wait3A_19 : memref<632x128xf32, #tpu.memory_space<vmem_shared>>)
      tpu.yield
    }) : () -> ()
    %barrier3A = arith.constant 0 : index
    tpu.barrier barrier_id(%barrier3A)
    %mul3A_5 = arith.constant 10112 : i32
    %mul3A_6 = arith.muli %add3A, %mul3A_5 : i32
    %scan3A = arith.constant 0 : i32
    %scan3A_7 = arith.constant 79 : i32
    %scan3A_8 = arith.addi %scan3A, %scan3A_7 : i32
    %scan3A_9 = arith.constant 1 : i32
    scf.for %scan3A_16 = %scan3A to %scan3A_8 step %scan3A_9  : i32 {
      %mul3A_17 = arith.constant 1 : i32
      %mul3A_18 = arith.muli %scan3A_16, %mul3A_17 : i32
      %add3A_19 = arith.constant 0 : i32
      %add3A_20 = arith.addi %add3A_19, %mul3A_18 : i32
      %mul3A_21 = arith.constant 128 : i32
      %mul3A_22 = arith.muli %add3A_20, %mul3A_21 : i32
      %add3A_23 = arith.addi %mul3A_6, %mul3A_22 : i32
      "tpu.region"() ({
        %run_scoped3A = tpu.sem_alloc : memref<!tpu.dma_semaphore, #tpu.memory_space<semaphore_mem>>
        %dma_start3A_28 = tpu.memref_slice %arg3[%add3A_23] : memref<323584xi32, #tpu.memory_space<hbm>> -> memref<128xi32, #tpu.memory_space<hbm>>
        %dma_start3A_29 = tpu.memref_slice %arg3[%add3A_23] : memref<323584xi32, #tpu.memory_space<hbm>> -> memref<128xi32, #tpu.memory_space<hbm>>
        tpu.enqueue_dma source(%dma_start3A_29 : memref<128xi32, #tpu.memory_space<hbm>>) target(%arg7 : memref<128xi32, #tpu.memory_space<vmem>>) target_semaphore(%run_scoped3A : memref<!tpu.dma_semaphore, #tpu.memory_space<semaphore_mem>>)
        %dma_wait3A_30 = tpu.memref_slice %arg3[%add3A_23] : memref<323584xi32, #tpu.memory_space<hbm>> -> memref<128xi32, #tpu.memory_space<hbm>>
        %dma_wait3A_31 = tpu.memref_slice %arg3[%add3A_23] : memref<323584xi32, #tpu.memory_space<hbm>> -> memref<128xi32, #tpu.memory_space<hbm>>
        tpu.wait_dma2 semaphore(%run_scoped3A : memref<!tpu.dma_semaphore, #tpu.memory_space<semaphore_mem>>) src(%dma_wait3A_31 : memref<128xi32, #tpu.memory_space<hbm>>) dst(%arg7 : memref<128xi32, #tpu.memory_space<vmem>>)
        tpu.yield
      }) : () -> ()
      "tpu.region"() ({
        %run_scoped3A = tpu.sem_alloc : memref<!tpu.dma_semaphore, #tpu.memory_space<semaphore_mem>>
        %dma_start3A_28 = tpu.memref_slice %arg4[%add3A_23] : memref<323584xi32, #tpu.memory_space<hbm>> -> memref<128xi32, #tpu.memory_space<hbm>>
        %dma_start3A_29 = tpu.memref_slice %arg4[%add3A_23] : memref<323584xi32, #tpu.memory_space<hbm>> -> memref<128xi32, #tpu.memory_space<hbm>>
        tpu.enqueue_dma source(%dma_start3A_29 : memref<128xi32, #tpu.memory_space<hbm>>) target(%arg8 : memref<128xi32, #tpu.memory_space<vmem>>) target_semaphore(%run_scoped3A : memref<!tpu.dma_semaphore, #tpu.memory_space<semaphore_mem>>)
        %dma_wait3A_30 = tpu.memref_slice %arg4[%add3A_23] : memref<323584xi32, #tpu.memory_space<hbm>> -> memref<128xi32, #tpu.memory_space<hbm>>
        %dma_wait3A_31 = tpu.memref_slice %arg4[%add3A_23] : memref<323584xi32, #tpu.memory_space<hbm>> -> memref<128xi32, #tpu.memory_space<hbm>>
        tpu.wait_dma2 semaphore(%run_scoped3A : memref<!tpu.dma_semaphore, #tpu.memory_space<semaphore_mem>>) src(%dma_wait3A_31 : memref<128xi32, #tpu.memory_space<hbm>>) dst(%arg8 : memref<128xi32, #tpu.memory_space<vmem>>)
        tpu.yield
      }) : () -> ()
      %dma_start3A = arith.constant 0 : i32
      %dma_start3A_24 = arith.constant 0 : i32
      %dma_start3A_25 = tpu.memref_slice %arg2[%dma_start3A, %dma_start3A_24] : memref<10112x128xf32, #tpu.memory_space<hbm>> -> memref<10112x128xf32, #tpu.memory_space<hbm>>
      tpu.enqueue_indirect_dma source(%dma_start3A_25 : memref<10112x128xf32, #tpu.memory_space<hbm>>) target(%arg9 : memref<128x128xf32, #tpu.memory_space<vmem>>) offsets(%arg7 : memref<128xi32, #tpu.memory_space<vmem>>) semaphore(%arg11 : memref<!tpu.dma_semaphore, #tpu.memory_space<semaphore_mem>>)
      %dma_wait3A = arith.constant 0 : i32
      %dma_wait3A_26 = arith.constant 0 : i32
      %dma_wait3A_27 = tpu.memref_slice %arg2[%dma_wait3A, %dma_wait3A_26] : memref<10112x128xf32, #tpu.memory_space<hbm>> -> memref<10112x128xf32, #tpu.memory_space<hbm>>
      tpu.wait_indirect_dma semaphore(%arg11 : memref<!tpu.dma_semaphore, #tpu.memory_space<semaphore_mem>>) src(%dma_wait3A_27 : memref<10112x128xf32, #tpu.memory_space<hbm>>) dst(%arg9 : memref<128x128xf32, #tpu.memory_space<vmem>>)
      "tpu.region"() ({
        %run_scoped3A = tpu.sem_alloc : memref<!tpu.dma_semaphore, #tpu.memory_space<semaphore_mem>>
        %dma_start3A_28 = arith.constant 0 : i32
        %dma_start3A_29 = arith.constant 0 : i32
        %dma_start3A_30 = tpu.memref_slice %arg10[%dma_start3A_28, %dma_start3A_29] : memref<10112x128xf32, #tpu.memory_space<vmem_shared>> -> memref<10112x128xf32, #tpu.memory_space<vmem_shared>>
        tpu.enqueue_indirect_dma source(%arg9 : memref<128x128xf32, #tpu.memory_space<vmem>>) target(%dma_start3A_30 : memref<10112x128xf32, #tpu.memory_space<vmem_shared>>) offsets(%arg8 : memref<128xi32, #tpu.memory_space<vmem>>) semaphore(%run_scoped3A : memref<!tpu.dma_semaphore, #tpu.memory_space<semaphore_mem>>) {add = true}
        %dma_wait3A_31 = arith.constant 0 : i32
        %dma_wait3A_32 = arith.constant 0 : i32
        %dma_wait3A_33 = tpu.memref_slice %arg10[%dma_wait3A_31, %dma_wait3A_32] : memref<10112x128xf32, #tpu.memory_space<vmem_shared>> -> memref<10112x128xf32, #tpu.memory_space<vmem_shared>>
        tpu.wait_indirect_dma semaphore(%run_scoped3A : memref<!tpu.dma_semaphore, #tpu.memory_space<semaphore_mem>>) src(%arg9 : memref<128x128xf32, #tpu.memory_space<vmem>>) dst(%dma_wait3A_33 : memref<10112x128xf32, #tpu.memory_space<vmem_shared>>)
        tpu.yield
      }) : () -> ()
    }
    %scan3A_10 = arith.constant 79 : i32
    %barrier3A_11 = arith.constant 0 : index
    tpu.barrier barrier_id(%barrier3A_11)
    %mul3A_12 = arith.constant 632 : i32
    %mul3A_13 = arith.muli %arg1, %mul3A_12 : i32
    %mul3A_14 = arith.constant 632 : i32
    %mul3A_15 = arith.muli %arg1, %mul3A_14 : i32
    "tpu.region"() ({
      %run_scoped3A = tpu.sem_alloc : memref<!tpu.dma_semaphore, #tpu.memory_space<semaphore_mem>>
      %dma_start3A = arith.constant 0 : i32
      %dma_start3A_16 = arith.constant 0 : i32
      %dma_start3A_17 = tpu.memref_slice %arg6[%arg0, %dma_start3A, %dma_start3A_16] : memref<2x10112x128xf32, #tpu.memory_space<hbm>> -> memref<1x10112x128xf32, #tpu.memory_space<hbm>>
      %dma_start3A_18 = tpu.memref_squeeze %dma_start3A_17 : memref<1x10112x128xf32, #tpu.memory_space<hbm>> -> memref<10112x128xf32, #tpu.memory_space<hbm>>
      %dma_start3A_19 = arith.constant 0 : i32
      %dma_start3A_20 = tpu.memref_slice %dma_start3A_18[%mul3A_15, %dma_start3A_19] : memref<10112x128xf32, #tpu.memory_space<hbm>> -> memref<632x128xf32, #tpu.memory_space<hbm>>
      %dma_start3A_21 = arith.constant 0 : i32
      %dma_start3A_22 = tpu.memref_slice %arg10[%mul3A_13, %dma_start3A_21] : memref<10112x128xf32, #tpu.memory_space<vmem_shared>> -> memref<632x128xf32, #tpu.memory_space<vmem_shared>>
      tpu.enqueue_dma source(%dma_start3A_22 : memref<632x128xf32, #tpu.memory_space<vmem_shared>>) target(%dma_start3A_20 : memref<632x128xf32, #tpu.memory_space<hbm>>) target_semaphore(%run_scoped3A : memref<!tpu.dma_semaphore, #tpu.memory_space<semaphore_mem>>)
      %dma_wait3A = arith.constant 0 : i32
      %dma_wait3A_23 = arith.constant 0 : i32
      %dma_wait3A_24 = tpu.memref_slice %arg6[%arg0, %dma_wait3A, %dma_wait3A_23] : memref<2x10112x128xf32, #tpu.memory_space<hbm>> -> memref<1x10112x128xf32, #tpu.memory_space<hbm>>
      %dma_wait3A_25 = tpu.memref_squeeze %dma_wait3A_24 : memref<1x10112x128xf32, #tpu.memory_space<hbm>> -> memref<10112x128xf32, #tpu.memory_space<hbm>>
      %dma_wait3A_26 = arith.constant 0 : i32
      %dma_wait3A_27 = tpu.memref_slice %dma_wait3A_25[%mul3A_15, %dma_wait3A_26] : memref<10112x128xf32, #tpu.memory_space<hbm>> -> memref<632x128xf32, #tpu.memory_space<hbm>>
      %dma_wait3A_28 = arith.constant 0 : i32
      %dma_wait3A_29 = tpu.memref_slice %arg10[%mul3A_13, %dma_wait3A_28] : memref<10112x128xf32, #tpu.memory_space<vmem_shared>> -> memref<632x128xf32, #tpu.memory_space<vmem_shared>>
      tpu.wait_dma2 semaphore(%run_scoped3A : memref<!tpu.dma_semaphore, #tpu.memory_space<semaphore_mem>>) src(%dma_wait3A_29 : memref<632x128xf32, #tpu.memory_space<vmem_shared>>) dst(%dma_wait3A_27 : memref<632x128xf32, #tpu.memory_space<hbm>>)
      tpu.yield
    }) : () -> ()
    return
  }
}

module attributes {stable_mosaic.version = 14 : i64} {
  func.func @_tc_mm0_body(%arg0: memref<10112x128xf32, #tpu.memory_space<vmem>>, %arg1: memref<128x128xf32, #tpu.memory_space<vmem>>, %arg2: memref<32x10112xf32, #tpu.memory_space<vmem>>, %arg3: memref<10112x128xf32, #tpu.memory_space<vmem>>) attributes {dimension_semantics = [], scalar_prefetch = 0 : i64, scratch_operands = 0 : i64, tpu.core_type = #tpu.core_type<tc>} {
    %get3A = arith.constant 0 : index
    %get3A_0 = arith.constant 0 : index
    %get3A_1 = vector.load %arg2[%get3A, %get3A_0] : memref<32x10112xf32, #tpu.memory_space<vmem>>, vector<32x10112xf32>
    %reduce_sum3A = arith.constant dense<0.000000e+00> : vector<10112xf32>
    %reduce_sum3A_2 = vector.multi_reduction <add>, %get3A_1, %reduce_sum3A [0] : vector<32x10112xf32> to vector<10112xf32>
    %add3A = arith.constant 1.000000e+00 : f32
    %add3A_3 = vector.broadcast %add3A : f32 to vector<10112xf32>
    %add3A_4 = arith.addf %reduce_sum3A_2, %add3A_3 : vector<10112xf32>
    %rsqrt3A = math.rsqrt %add3A_4 : vector<10112xf32>
    %get3A_5 = arith.constant 0 : index
    %get3A_6 = arith.constant 0 : index
    %get3A_7 = vector.load %arg0[%get3A_5, %get3A_6] : memref<10112x128xf32, #tpu.memory_space<vmem>>, vector<10112x128xf32>
    %get3A_8 = arith.constant 0 : index
    %get3A_9 = arith.constant 0 : index
    %get3A_10 = vector.load %arg1[%get3A_8, %get3A_9] : memref<128x128xf32, #tpu.memory_space<vmem>>, vector<128x128xf32>
    %dot_general3A = arith.constant dense<0.000000e+00> : vector<10112x128xf32>
    %dot_general3A_11 = tpu.matmul %get3A_7, %get3A_10, %dot_general3A {dimension_numbers = #tpu.dot_dimension_numbers<[1], [0], [0], [1], [0, 0, 1, 1], [], []>, transpose_lhs_hint = false} : vector<10112x128xf32>, vector<128x128xf32>, vector<10112x128xf32> -> vector<10112x128xf32>
    %broadcast_in_dim3A = vector.shape_cast %rsqrt3A : vector<10112xf32> to vector<10112x1xf32>
    %mul3A = vector.broadcast %broadcast_in_dim3A : vector<10112x1xf32> to vector<10112x128xf32>
    %mul3A_12 = arith.mulf %dot_general3A_11, %mul3A : vector<10112x128xf32>
    %swap3A = arith.constant 0 : index
    %swap3A_13 = arith.constant 0 : index
    %swap3A_14 = vector.load %arg3[%swap3A, %swap3A_13] : memref<10112x128xf32, #tpu.memory_space<vmem>>, vector<10112x128xf32>
    tpu.vector_store %arg3[%swap3A, %swap3A_13], %mul3A_12 {strides = array<i32>} : memref<10112x128xf32, #tpu.memory_space<vmem>>, vector<10112x128xf32>,
    return
  }
}

module attributes {stable_mosaic.version = 14 : i64} {
  func.func @_tc_mm1_body(%arg0: memref<2x10112x128xf32, #tpu.memory_space<vmem>>, %arg1: memref<10112x128xf32, #tpu.memory_space<vmem>>, %arg2: memref<32x10112xf32, #tpu.memory_space<vmem>>, %arg3: memref<1x128xf32, #tpu.memory_space<vmem>>, %arg4: memref<128x128xf32, #tpu.memory_space<vmem>>, %arg5: memref<10112x128xf32, #tpu.memory_space<vmem>>, %arg6: memref<10112x128xf32, #tpu.memory_space<vmem>>) attributes {dimension_semantics = [], scalar_prefetch = 0 : i64, scratch_operands = 0 : i64, tpu.core_type = #tpu.core_type<tc>} {
    %get3A = arith.constant 0 : index
    %get3A_0 = arith.constant 0 : index
    %get3A_1 = vector.load %arg2[%get3A, %get3A_0] : memref<32x10112xf32, #tpu.memory_space<vmem>>, vector<32x10112xf32>
    %reduce_sum3A = arith.constant dense<0.000000e+00> : vector<10112xf32>
    %reduce_sum3A_2 = vector.multi_reduction <add>, %get3A_1, %reduce_sum3A [0] : vector<32x10112xf32> to vector<10112xf32>
    %add3A = arith.constant 1.000000e+00 : f32
    %add3A_3 = vector.broadcast %add3A : f32 to vector<10112xf32>
    %add3A_4 = arith.addf %reduce_sum3A_2, %add3A_3 : vector<10112xf32>
    %rsqrt3A = math.rsqrt %add3A_4 : vector<10112xf32>
    %get3A_5 = arith.constant 0 : index
    %get3A_6 = arith.constant 0 : index
    %get3A_7 = arith.constant 0 : index
    %get3A_8 = vector.load %arg0[%get3A_5, %get3A_6, %get3A_7] : memref<2x10112x128xf32, #tpu.memory_space<vmem>>, vector<1x10112x128xf32>
    %get3A_9 = vector.shape_cast %get3A_8 : vector<1x10112x128xf32> to vector<10112x128xf32>
    %get3A_10 = arith.constant 1 : index
    %get3A_11 = arith.constant 0 : index
    %get3A_12 = arith.constant 0 : index
    %get3A_13 = vector.load %arg0[%get3A_10, %get3A_11, %get3A_12] : memref<2x10112x128xf32, #tpu.memory_space<vmem>>, vector<1x10112x128xf32>
    %get3A_14 = vector.shape_cast %get3A_13 : vector<1x10112x128xf32> to vector<10112x128xf32>
    %add3A_15 = arith.addf %get3A_9, %get3A_14 : vector<10112x128xf32>
    %get3A_16 = arith.constant 0 : index
    %get3A_17 = arith.constant 0 : index
    %get3A_18 = vector.load %arg1[%get3A_16, %get3A_17] : memref<10112x128xf32, #tpu.memory_space<vmem>>, vector<10112x128xf32>
    %add3A_19 = arith.addf %add3A_15, %get3A_18 : vector<10112x128xf32>
    %broadcast_in_dim3A = vector.shape_cast %rsqrt3A : vector<10112xf32> to vector<10112x1xf32>
    %mul3A = vector.broadcast %broadcast_in_dim3A : vector<10112x1xf32> to vector<10112x128xf32>
    %mul3A_20 = arith.mulf %add3A_19, %mul3A : vector<10112x128xf32>
    %get3A_21 = arith.constant 0 : index
    %get3A_22 = arith.constant 0 : index
    %get3A_23 = vector.load %arg3[%get3A_21, %get3A_22] : memref<1x128xf32, #tpu.memory_space<vmem>>, vector<1x128xf32>
    %add3A_24 = vector.broadcast %get3A_23 : vector<1x128xf32> to vector<10112x128xf32>
    %add3A_25 = arith.addf %mul3A_20, %add3A_24 : vector<10112x128xf32>
    %max3A = arith.constant 0.000000e+00 : f32
    %max3A_26 = vector.broadcast %max3A : f32 to vector<10112x128xf32>
    %max3A_27 = arith.maximumf %add3A_25, %max3A_26 : vector<10112x128xf32>
    %iota3A = tpu.iota {dimensions = array<i32: 0>} : vector<10112x128xi32>
    %lt3A = arith.constant 10000 : i32
    %lt3A_28 = vector.broadcast %lt3A : i32 to vector<10112x128xi32>
    %lt3A_29 = arith.cmpi slt, %iota3A, %lt3A_28 : vector<10112x128xi32>
    %jit3A = arith.constant 0.000000e+00 : f32
    %broadcast_in_dim3A_30 = vector.broadcast %jit3A : f32 to vector<10112x128xf32>
    %select_n3A = arith.select %lt3A_29, %max3A_27, %broadcast_in_dim3A_30 : vector<10112x128xi1>, vector<10112x128xf32>
    %swap3A = arith.constant 0 : index
    %swap3A_31 = arith.constant 0 : index
    %swap3A_32 = vector.load %arg5[%swap3A, %swap3A_31] : memref<10112x128xf32, #tpu.memory_space<vmem>>, vector<10112x128xf32>
    tpu.vector_store %arg5[%swap3A, %swap3A_31], %select_n3A {strides = array<i32>} : memref<10112x128xf32, #tpu.memory_space<vmem>>, vector<10112x128xf32>,
    %get3A_33 = arith.constant 0 : index
    %get3A_34 = arith.constant 0 : index
    %get3A_35 = vector.load %arg4[%get3A_33, %get3A_34] : memref<128x128xf32, #tpu.memory_space<vmem>>, vector<128x128xf32>
    %dot_general3A = arith.constant dense<0.000000e+00> : vector<10112x128xf32>
    %dot_general3A_36 = tpu.matmul %select_n3A, %get3A_35, %dot_general3A {dimension_numbers = #tpu.dot_dimension_numbers<[1], [0], [0], [1], [0, 0, 1, 1], [], []>, transpose_lhs_hint = false} : vector<10112x128xf32>, vector<128x128xf32>, vector<10112x128xf32> -> vector<10112x128xf32>
    %broadcast_in_dim3A_37 = vector.shape_cast %rsqrt3A : vector<10112xf32> to vector<10112x1xf32>
    %mul3A_38 = vector.broadcast %broadcast_in_dim3A_37 : vector<10112x1xf32> to vector<10112x128xf32>
    %mul3A_39 = arith.mulf %dot_general3A_36, %mul3A_38 : vector<10112x128xf32>
    %swap3A_40 = arith.constant 0 : index
    %swap3A_41 = arith.constant 0 : index
    %swap3A_42 = vector.load %arg6[%swap3A_40, %swap3A_41] : memref<10112x128xf32, #tpu.memory_space<vmem>>, vector<10112x128xf32>
    tpu.vector_store %arg6[%swap3A_40, %swap3A_41], %mul3A_39 {strides = array<i32>} : memref<10112x128xf32, #tpu.memory_space<vmem>>, vector<10112x128xf32>,
    return
  }
}

module attributes {stable_mosaic.version = 14 : i64} {
  func.func @_tc_head_body(%arg0: memref<2x10112x128xf32, #tpu.memory_space<vmem>>, %arg1: memref<10112x128xf32, #tpu.memory_space<vmem>>, %arg2: memref<32x10112xf32, #tpu.memory_space<vmem>>, %arg3: memref<1x128xf32, #tpu.memory_space<vmem>>, %arg4: memref<10112x128xf32, #tpu.memory_space<vmem>>, %arg5: memref<256x128xf32, #tpu.memory_space<vmem>>, %arg6: memref<1x128xf32, #tpu.memory_space<vmem>>, %arg7: memref<1x10112xi32, #tpu.memory_space<vmem>>, %arg8: memref<128x128xf32, #tpu.memory_space<vmem>>, %arg9: memref<1x128xf32, #tpu.memory_space<vmem>>, %arg10: memref<128x128xf32, #tpu.memory_space<vmem>>, %arg11: memref<1x128xf32, #tpu.memory_space<vmem>>, %arg12: memref<64x128xf32, #tpu.memory_space<vmem>>) attributes {dimension_semantics = [], scalar_prefetch = 0 : i64, scratch_operands = 0 : i64, tpu.core_type = #tpu.core_type<tc>} {
    %get3A = arith.constant 0 : index
    %get3A_0 = arith.constant 0 : index
    %get3A_1 = vector.load %arg2[%get3A, %get3A_0] : memref<32x10112xf32, #tpu.memory_space<vmem>>, vector<32x10112xf32>
    %reduce_sum3A = arith.constant dense<0.000000e+00> : vector<10112xf32>
    %reduce_sum3A_2 = vector.multi_reduction <add>, %get3A_1, %reduce_sum3A [0] : vector<32x10112xf32> to vector<10112xf32>
    %add3A = arith.constant 1.000000e+00 : f32
    %add3A_3 = vector.broadcast %add3A : f32 to vector<10112xf32>
    %add3A_4 = arith.addf %reduce_sum3A_2, %add3A_3 : vector<10112xf32>
    %rsqrt3A = math.rsqrt %add3A_4 : vector<10112xf32>
    %get3A_5 = arith.constant 0 : index
    %get3A_6 = arith.constant 0 : index
    %get3A_7 = arith.constant 0 : index
    %get3A_8 = vector.load %arg0[%get3A_5, %get3A_6, %get3A_7] : memref<2x10112x128xf32, #tpu.memory_space<vmem>>, vector<1x10112x128xf32>
    %get3A_9 = vector.shape_cast %get3A_8 : vector<1x10112x128xf32> to vector<10112x128xf32>
    %get3A_10 = arith.constant 1 : index
    %get3A_11 = arith.constant 0 : index
    %get3A_12 = arith.constant 0 : index
    %get3A_13 = vector.load %arg0[%get3A_10, %get3A_11, %get3A_12] : memref<2x10112x128xf32, #tpu.memory_space<vmem>>, vector<1x10112x128xf32>
    %get3A_14 = vector.shape_cast %get3A_13 : vector<1x10112x128xf32> to vector<10112x128xf32>
    %add3A_15 = arith.addf %get3A_9, %get3A_14 : vector<10112x128xf32>
    %get3A_16 = arith.constant 0 : index
    %get3A_17 = arith.constant 0 : index
    %get3A_18 = vector.load %arg1[%get3A_16, %get3A_17] : memref<10112x128xf32, #tpu.memory_space<vmem>>, vector<10112x128xf32>
    %add3A_19 = arith.addf %add3A_15, %get3A_18 : vector<10112x128xf32>
    %broadcast_in_dim3A = vector.shape_cast %rsqrt3A : vector<10112xf32> to vector<10112x1xf32>
    %mul3A = vector.broadcast %broadcast_in_dim3A : vector<10112x1xf32> to vector<10112x128xf32>
    %mul3A_20 = arith.mulf %add3A_19, %mul3A : vector<10112x128xf32>
    %get3A_21 = arith.constant 0 : index
    %get3A_22 = arith.constant 0 : index
    %get3A_23 = vector.load %arg3[%get3A_21, %get3A_22] : memref<1x128xf32, #tpu.memory_space<vmem>>, vector<1x128xf32>
    %add3A_24 = vector.broadcast %get3A_23 : vector<1x128xf32> to vector<10112x128xf32>
    %add3A_25 = arith.addf %mul3A_20, %add3A_24 : vector<10112x128xf32>
    %max3A = arith.constant 0.000000e+00 : f32
    %max3A_26 = vector.broadcast %max3A : f32 to vector<10112x128xf32>
    %max3A_27 = arith.maximumf %add3A_25, %max3A_26 : vector<10112x128xf32>
    %get3A_28 = arith.constant 0 : index
    %get3A_29 = arith.constant 0 : index
    %get3A_30 = vector.load %arg4[%get3A_28, %get3A_29] : memref<10112x128xf32, #tpu.memory_space<vmem>>, vector<10112x128xf32>
    %get3A_31 = arith.constant 0 : index
    %get3A_32 = arith.constant 0 : index
    %get3A_33 = vector.load %arg5[%get3A_31, %get3A_32] : memref<256x128xf32, #tpu.memory_space<vmem>>, vector<128x128xf32>
    %dot_general3A = arith.constant dense<0.000000e+00> : vector<10112x128xf32>
    %dot_general3A_34 = tpu.matmul %get3A_30, %get3A_33, %dot_general3A {dimension_numbers = #tpu.dot_dimension_numbers<[1], [0], [0], [1], [0, 0, 1, 1], [], []>, transpose_lhs_hint = false} : vector<10112x128xf32>, vector<128x128xf32>, vector<10112x128xf32> -> vector<10112x128xf32>
    %get3A_35 = arith.constant 128 : index
    %get3A_36 = arith.constant 0 : index
    %get3A_37 = vector.load %arg5[%get3A_35, %get3A_36] : memref<256x128xf32, #tpu.memory_space<vmem>>, vector<128x128xf32>
    %dot_general3A_38 = arith.constant dense<0.000000e+00> : vector<10112x128xf32>
    %dot_general3A_39 = tpu.matmul %max3A_27, %get3A_37, %dot_general3A_38 {dimension_numbers = #tpu.dot_dimension_numbers<[1], [0], [0], [1], [0, 0, 1, 1], [], []>, transpose_lhs_hint = false} : vector<10112x128xf32>, vector<128x128xf32>, vector<10112x128xf32> -> vector<10112x128xf32>
    %add3A_40 = arith.addf %dot_general3A_34, %dot_general3A_39 : vector<10112x128xf32>
    %get3A_41 = arith.constant 0 : index
    %get3A_42 = arith.constant 0 : index
    %get3A_43 = vector.load %arg6[%get3A_41, %get3A_42] : memref<1x128xf32, #tpu.memory_space<vmem>>, vector<1x128xf32>
    %add3A_44 = vector.broadcast %get3A_43 : vector<1x128xf32> to vector<10112x128xf32>
    %add3A_45 = arith.addf %add3A_40, %add3A_44 : vector<10112x128xf32>
    %iota3A = tpu.iota {dimensions = array<i32: 0>} : vector<64x10112xi32>
    %get3A_46 = arith.constant 0 : index
    %get3A_47 = arith.constant 0 : index
    %get3A_48 = vector.load %arg7[%get3A_46, %get3A_47] : memref<1x10112xi32, #tpu.memory_space<vmem>>, vector<1x10112xi32>
    %eq3A = vector.broadcast %get3A_48 : vector<1x10112xi32> to vector<64x10112xi32>
    %eq3A_49 = arith.cmpi eq, %iota3A, %eq3A : vector<64x10112xi32>
    %convert_element_type3A = arith.extui %eq3A_49 : vector<64x10112xi1> to vector<64x10112xi32>
    %convert_element_type3A_50 = arith.sitofp %convert_element_type3A : vector<64x10112xi32> to vector<64x10112xf32>
    %dot_general3A_51 = arith.constant dense<0.000000e+00> : vector<64x128xf32>
    %dot_general3A_52 = tpu.matmul %convert_element_type3A_50, %add3A_45, %dot_general3A_51 {dimension_numbers = #tpu.dot_dimension_numbers<[1], [0], [0], [1], [0, 0, 1, 1], [], []>, transpose_lhs_hint = false} : vector<64x10112xf32>, vector<10112x128xf32>, vector<64x128xf32> -> vector<64x128xf32>
    %get3A_53 = arith.constant 0 : index
    %get3A_54 = arith.constant 0 : index
    %get3A_55 = vector.load %arg8[%get3A_53, %get3A_54] : memref<128x128xf32, #tpu.memory_space<vmem>>, vector<128x128xf32>
    %dot_general3A_56 = arith.constant dense<0.000000e+00> : vector<64x128xf32>
    %dot_general3A_57 = tpu.matmul %dot_general3A_52, %get3A_55, %dot_general3A_56 {dimension_numbers = #tpu.dot_dimension_numbers<[1], [0], [0], [1], [0, 0, 1, 1], [], []>, transpose_lhs_hint = false} : vector<64x128xf32>, vector<128x128xf32>, vector<64x128xf32> -> vector<64x128xf32>
    %get3A_58 = arith.constant 0 : index
    %get3A_59 = arith.constant 0 : index
    %get3A_60 = vector.load %arg9[%get3A_58, %get3A_59] : memref<1x128xf32, #tpu.memory_space<vmem>>, vector<1x128xf32>
    %add3A_61 = vector.broadcast %get3A_60 : vector<1x128xf32> to vector<64x128xf32>
    %add3A_62 = arith.addf %dot_general3A_57, %add3A_61 : vector<64x128xf32>
    %sqrt3A = arith.constant 1.000010e+00 : f32
    %sqrt3A_63 = math.sqrt %sqrt3A : f32
    %div3A = arith.constant 1.000000e+00 : f32
    %div3A_64 = arith.divf %div3A, %sqrt3A_63 : f32
    %mul3A_65 = vector.broadcast %div3A_64 : f32 to vector<64x128xf32>
    %mul3A_66 = arith.mulf %add3A_62, %mul3A_65 : vector<64x128xf32>
    %max3A_67 = arith.constant 0.000000e+00 : f32
    %max3A_68 = vector.broadcast %max3A_67 : f32 to vector<64x128xf32>
    %max3A_69 = arith.maximumf %mul3A_66, %max3A_68 : vector<64x128xf32>
    %get3A_70 = arith.constant 0 : index
    %get3A_71 = arith.constant 0 : index
    %get3A_72 = vector.load %arg10[%get3A_70, %get3A_71] : memref<128x128xf32, #tpu.memory_space<vmem>>, vector<128x128xf32>
    %dot_general3A_73 = arith.constant dense<0.000000e+00> : vector<64x128xf32>
    %dot_general3A_74 = tpu.matmul %max3A_69, %get3A_72, %dot_general3A_73 {dimension_numbers = #tpu.dot_dimension_numbers<[1], [0], [0], [1], [0, 0, 1, 1], [], []>, transpose_lhs_hint = false} : vector<64x128xf32>, vector<128x128xf32>, vector<64x128xf32> -> vector<64x128xf32>
    %get3A_75 = arith.constant 0 : index
    %get3A_76 = arith.constant 0 : index
    %get3A_77 = vector.load %arg11[%get3A_75, %get3A_76] : memref<1x128xf32, #tpu.memory_space<vmem>>, vector<1x128xf32>
    %add3A_78 = vector.broadcast %get3A_77 : vector<1x128xf32> to vector<64x128xf32>
    %add3A_79 = arith.addf %dot_general3A_74, %add3A_78 : vector<64x128xf32>
    %swap3A = arith.constant 0 : index
    %swap3A_80 = arith.constant 0 : index
    %swap3A_81 = vector.load %arg12[%swap3A, %swap3A_80] : memref<64x128xf32, #tpu.memory_space<vmem>>, vector<64x128xf32>
    tpu.vector_store %arg12[%swap3A, %swap3A_80], %add3A_79 {strides = array<i32>} : memref<64x128xf32, #tpu.memory_space<vmem>>, vector<64x128xf32>,
    return
  }
}

</mosaic_0001>

<sc_bundles>
// kernel: kernel.11.cloned.1.call-start
scs
__scs_entry_jumppad:
0x0: {  	(pc) =	sbr.rel $0x88, $3  }
0x1: {  	(tag) =	ssettag $0x0;
	lr =	simm.s32 $0x1  }
0x2: {  	[smem:$0x3F94] =	sst lr;
	_ =	strace $0xD0000000  }
0x3: {  	_ = 	snop  }
0x4: {  	_ = 	snop  }
0x5: {  	_ = 	snop  }
0x6: {  	_ = 	snop  }
0x7: {  	_ = 	snop  }
__scs_overlays_trampoline_lowered:
0x8: {  	[smem:$0x3FA3] =	sst s0  }
0x9: {  	[smem:$0x3FA4] =	sst s1  }
0xa: {  	[smem:$0x3FA5] =	sst s2  }
0xb: {  	[smem:$0x3FA6] =	sst s3  }
0xc: {  	[smem:$0x3FA7] =	sst s4  }
0xd: {  	[smem:$0x3FA8] =	sst s5  }
0xe: {  	[smem:$0x3FA9] =	sst s6  }
0xf: {  	[smem:$0x3FAA] =	sst s7  }
0x10: {  	[smem:$0x3FAB] =	sst s8  }
0x11: {  	[smem:$0x3FAC] =	sst s9;
	s0 =	simm.s32 @!p0 $0x0  }
0x12: {  	s1 =	sld [smem:$0x3F92];
	s0 =	simm.s32 @p0 $0x1  }
0x13: {  	[smem:$0x3FAD] =	sst s0;
	s0 =	simm.s32 @!p1 $0x0  }
0x14: {  	s2 =	sld [smem:$0x3F91];
	s0 =	simm.s32 @p1 $0x1  }
0x15: {  	[smem:$0x3FAE] =	sst s0;
	s0 =	simm.s32 @!p2 $0x0  }
0x16: {  	s3 =	sld [smem:$0x3FDB];
	s0 =	simm.s32 @p2 $0x1  }
0x17: {  	s4 =	simm.s32 $0x1BF5;
	[smem:$0x3FB0] =	sst s0  }
0x18: {  	s0 =	sld [smem:$0x3F93];
	_ =	swait.ge [sflag:s4], $0x0  }
0x19: {  	s7 =	sld [smem:$0x3F94]  }
0x1a: {  	s8 =	sadd.s32 $0xFFFFE003, lr  }
0x1b: {  	s9 =	sadd.s32 $0xFFFFFEF7, lr;
	s5 =	simm.s32 $0xFFFFFFFF;
	p2 =	slt.u32 s8, $0xFFFFF086  }
0x1c: {  	p1 =	slt.u32 s9, $0xF7A;
	s5 =	simm.s32 @!p2 $0x0  }
0x1d: {  	s5 =	simm.s32 @p1 $0x1;
	p0 =	seq.s32 s7, s2  }
0x1e: {  	s7 =	smul.u32 @!p0 $0xF7A, s2;
	p2 =	seq.s32 @!p0 s5, $0x0  }
0x1f: {  	s9 =	smul.u32 $0xF7A, s1;
	s8 =	simm.s32 @!p0 $0x1BF5;
	p2 =	por !p2, p0  }
0x20: {  	[sflag:s8] =	ssyncset.s32 @!p0 $0xFFFFF086;
	s6 =	sadd.s32 @!p0 s3, s7;
	s7 =	simm.s32 @!p0 $0x108  }
0x21: {  	s3 =	sadd.s32 s3, s9;
	s6 =	sadd.s32 @!p0 $0x88, s6;
	s7 =	simm.s32 @p2 $0x1082  }
0x22: {  	[simem:s7], [sflag:s8] =	dma.local @!p0 [hbm:s6], $0xF7A  }
0x23: {  	s9 =	sor.u32 $0xD0000000, s2;
	s6 =	simm.s32 $0x108;
	_ =	swait.ge @!p0 [sflag:s8], $0x0  }
0x24: {  	s3 =	sadd.s32 $0x88, s3;
	s6 =	simm.s32 @!p1 $0x1082;
	[sflag:s4] =	ssyncset.s32 $0xFFFFF086  }
0x25: {  	[simem:s6], [sflag:s4] =	dma.local [hbm:s3], $0xF7A  }
0x26: {  	[smem:$0x3F94] =	sst s1;
	(tag) =	ssettag s2;
	_ =	strace s9  }
0x27: {  	s1 =	sld [smem:$0x3FA4]  }
0x28: {  	s2 =	sld [smem:$0x3FA5]  }
0x29: {  	s4 =	sld [smem:$0x3FA7]  }
0x2a: {  	p0 =	seq.s32 s5, $0x0;
	s5 =	sld [smem:$0x3FA8]  }
0x2b: {  	s6 =	sld [smem:$0x3FA9]  }
0x2c: {  	s7 =	sld [smem:$0x3FAA]  }
0x2d: {  	s3 =	simm.s32 $0x108;
	s8 =	sld [smem:$0x3FAB]  }
0x2e: {  	s3 =	simm.s32 @!p0 $0x1082;
	s9 =	sld [smem:$0x3FAC]  }
0x2f: {  	lr =	sadd.s32 s0, s3;
	s0 =	sld [smem:$0x3FA3]  }
0x30: {  	s3 =	sld [smem:$0x3FA6]  }
0x31: {  	[smem:$0x3FAF] =	sst s10  }
0x32: {  	s10 =	sld [smem:$0x3FAD];
	_ =	sdelay $0x3  }
0x33: {  	p0 =	seq.s32 s10, $0x1;
	s10 =	sld [smem:$0x3FAF];
	_ =	sdelay $0x3  }
0x34: {  	[smem:$0x3FAF] =	sst s10  }
0x35: {  	s10 =	sld [smem:$0x3FAE];
	_ =	sdelay $0x3  }
0x36: {  	p1 =	seq.s32 s10, $0x1;
	s10 =	sld [smem:$0x3FAF];
	_ =	sdelay $0x3  }
0x37: {  	[smem:$0x3FAF] =	sst s10  }
0x38: {  	s10 =	sld [smem:$0x3FB0]  }
0x39: {  	_ = 	snop;
	(pc) =	sbr.ind lr, $3  }
0x3a: {  	_ = 	snop  }
0x3b: {  	_ = 	snop  }
0x3c: {  	p2 =	seq.s32 s10, $0x1;
	s10 =	sld [smem:$0x3FAF]  }
0x3d: {  	_ =	shalt  }
0x3e: {  	_ =	shalt  }
0x3f: {  	_ =	shalt  }
0x40: {  	_ =	shalt  }
0x41: {  	_ =	shalt  }
0x42: {  	_ =	shalt  }
0x43: {  	_ =	shalt  }
0x44: {  	_ =	shalt  }
0x45: {  	_ =	shalt  }
0x46: {  	_ =	shalt  }
0x47: {  	_ =	shalt  }
0x48: {  	_ =	shalt  }
0x49: {  	_ =	shalt  }
0x4a: {  	_ =	shalt  }
0x4b: {  	_ =	shalt  }
0x4c: {  	_ =	shalt  }
0x4d: {  	_ =	shalt  }
0x4e: {  	_ =	shalt  }
0x4f: {  	_ =	shalt  }
0x50: {  	_ =	shalt  }
0x51: {  	_ =	shalt  }
0x52: {  	_ =	shalt  }
0x53: {  	_ =	shalt  }
0x54: {  	_ =	shalt  }
0x55: {  	_ =	shalt  }
0x56: {  	_ =	shalt  }
0x57: {  	_ =	shalt  }
0x58: {  	_ =	shalt  }
0x59: {  	_ =	shalt  }
0x5a: {  	_ =	shalt  }
0x5b: {  	_ =	shalt  }
0x5c: {  	_ =	shalt  }
0x5d: {  	_ =	shalt  }
0x5e: {  	_ =	shalt  }
0x5f: {  	_ =	shalt  }
0x60: {  	_ =	shalt  }
0x61: {  	_ =	shalt  }
0x62: {  	_ =	shalt  }
0x63: {  	_ =	shalt  }
0x64: {  	_ =	shalt  }
0x65: {  	_ =	shalt  }
0x66: {  	_ =	shalt  }
0x67: {  	_ =	shalt  }
0x68: {  	_ =	shalt  }
0x69: {  	_ =	shalt  }
0x6a: {  	_ =	shalt  }
0x6b: {  	_ =	shalt  }
0x6c: {  	_ =	shalt  }
0x6d: {  	_ =	shalt  }
0x6e: {  	_ =	shalt  }
0x6f: {  	_ =	shalt  }
0x70: {  	_ =	shalt  }
0x71: {  	_ =	shalt  }
0x72: {  	_ =	shalt  }
0x73: {  	_ =	shalt  }
0x74: {  	_ =	shalt  }
0x75: {  	_ =	shalt  }
0x76: {  	_ =	shalt  }
0x77: {  	_ =	shalt  }
0x78: {  	_ =	shalt  }
0x79: {  	_ =	shalt  }
0x7a: {  	_ =	shalt  }
0x7b: {  	_ =	shalt  }
0x7c: {  	_ =	shalt  }
0x7d: {  	_ =	shalt  }
0x7e: {  	_ =	shalt  }
0x7f: {  	_ =	shalt  }
0x80: {  	_ =	shalt  }
0x81: {  	_ =	shalt  }
0x82: {  	_ =	shalt  }
0x83: {  	_ =	shalt  }
0x84: {  	_ =	shalt  }
0x85: {  	_ =	shalt  }
0x86: {  	_ =	shalt  }
0x87: {  	_ =	shalt  }
.Lfunc_end0:
.L_simem_size_0:
called_computation.1_lowered:
.L_overlay_start_0:
0x88: {  	s2 =	sld [smem:$0x3FD9]  }
0x89: {  	s3 =	sld [smem:$0x3FFE];
	_ =	sdelay $0x1  }
0x8a: {  	s1 =	srdreg.scid  }
0x8b: {  	s0 =	sand.u32 $0x1, s1  }
0x8c: {  	s16 =	sshll.u32 s0, $0xA;
	s2 =	sadd.s32 s3, s2  }
0x8d: {  	s2 =	sadd.s32 s2, s16  }
0x8e: {  	[smem:$0x3FBB] =	sst s2  }
0x8f: {  	_ = 	snop  }
0x90: {  	(tm) =	ssettm $0x1  }
0x91: {  	s17 =	sld [smem:$0x3FFB];
	_ =	sdelay $0x3  }
0x92: {  	_ =	strace s17  }
0x93: {  	s2 =	sld [smem:$0x3FFC];
	_ =	sdelay $0x3  }
0x94: {  	_ =	strace s2  }
0x95: {  	s2 =	sld [smem:$0x3FFD];
	_ =	sdelay $0x3  }
0x96: {  	_ =	strace s2  }
0x97: {  	_ =	strace $0x8FFFFFFF  }
0x98: {  	s18 =	sld [smem:$0x3FDB];
	_ =	sdelay $0x1  }
0x99: {  	s19 =	simm.s32 $_scs_section_size  }
0x9a: {  	s4 =	simm.s32 $_size__tile_overlayer_lowered;
	s5 =	simm.s32 $_tile_overlayer_lowered  }
0x9b: {  	s22 =	simm.s32 $0x1BFF;
	s21 =	sshll.u32 s5, $0x1;
	s2 =	sadd.s32 s19, s18  }
0x9c: {  	s6 =	simm.s32 $0x0;
	s20 =	sshll.u32 s4, $0x1;
	s4 =	sadd.s32 s21, s2  }
0x9d: {  	[timem:s6], [sflag:s22] =	dma.local [hbm:s4], s20  }
0x9e: {  	_ =	swait.ge [sflag:s22], s20  }
0x9f: {  	s3 =	ssub.s32 $0x0, s20;
	[sflag:s22] =	ssyncset.done $0x0  }
0xa0: {  	[sflag:s22] =	ssyncadd.s32 s3;
	_ =	sdelay $0x1  }
0xa1: {  	s23 =	simm.s32 $0x1B8B  }
0xa2: {  	_ =	swait.ge [sflag:s23], $0x1  }
0xa3: {  	[sflag:s23] =	ssyncset.done $0x0  }
0xa4: {  	s25 =	simm.s32 $0x1B8E;
	s24 =	sld [smem:$0x3FFE];
	[sflag:s23] =	ssyncadd.s32 $0xFFFFFFFF  }
0xa5: {  	s26 =	simm.s32 $execute0_lowered;
	[smem:$0x3FD2] =	sst s25  }
0xa6: {  	s4 =	sshll.u32 s26, $0x1;
	_ =	strace $0x80000049;
	[dreg:$0x1] =	wrdreg $0xFFFFFFFF  }
0xa7: {  	s28 =	simm.s32 $_size_execute0_lowered;
	s2 =	sadd.s32 s2, s4;
	[dreg:$0x0] =	wrdreg $0x0  }
0xa8: {  	s4 =	sshll.u32 s28, $0x1;
	[dreg:$0x2] =	wrdreg s2  }
0xa9: {  	[dreg:$0x3] =	wrdreg s4  }
0xaa: {  	[dreg:$0x4] =	wrdreg $0xC0  }
0xab: {  	_ =	task [dreg:s6], $0x5FFFF  }
0xac: {  	[dreg:$0x1] =	wrdreg $0xFFFFFFFF  }
0xad: {  	[dreg:$0x0] =	wrdreg $0x60  }
0xae: {  	[dreg:$0x2] =	wrdreg s24  }
0xaf: {  	[dreg:$0x3] =	wrdreg $0x41000  }
0xb0: {  	[dreg:$0x4] =	wrdreg $0x9  }
0xb1: {  	_ =	task.clear_ibuf [dreg:s6], $0x5FFFF;
	_ =	strace $0x90000049  }
0xb2: {  	s29 =	simm.s32 $0x9;
	_ =	strace $0x8000004B  }
0xb3: {  	_ =	swait.ge [sflag:s29], $0x1  }
0xb4: {  	[sflag:s29] =	ssyncadd.s32 $0xFFFFFFFF  }
0xb5: {  	_ =	strace $0x9000004B  }
0xb6: {  	_ =	sfence  }
0xb7: {  	s30 =	sld [smem:$0x0];
	_ =	sdelay $0x2  }
0xb8: {  	s31 =	sshll.u32 s1, $0xD;
	s1 =	sshrl.u32 s1, $0x2  }
0xb9: {  	s3 =	sand.u32 $0x4000, s31;
	s1 =	sadd.s32 s1, s30  }
0xba: {  	s0 =	sor.u32 s3, s0;
	s1 =	sshll.u32 s1, $0x11  }
0xbb: {  	s0 =	sor.u32 s1, s0  }
0xbc: {  	s0 =	sadd.s32 $0x8F2B, s0  }
0xbd: {  	[sflag:s0] =	ssyncadd.remote.s32 $0x1  }
0xbe: {  	_ =	sfence.sel $0xFFFF  }
0xbf: {  	[dreg:$0x0] =	wrdreg $0xFFFFFFFF;
	(pc) =	sbr.abs _section_cstart, $3  }
0xc0: {  	[dreg:$0x1] =	wrdreg $0xFFFFFFFF  }
0xc1: {  	_ =	task.clear_ibuf [dreg:s6], $0x2FFFF;
	_ =	strace $0x9FFFFFFF  }
0xc2: {  	(tm) =	ssettm $0x7FFFFFFF  }
0xc3: {  	_ =	shalt  }
tec
execute0_lowered:
.L_overlay_start_1:
0x0: {  	(tag) =	ssettag $0x1  }
0x1: {  	s5 =	rddreg [dreg:$0x0]  }
0x2: {  	s2 =	rddreg [dreg:$0x1]  }
0x3: {  	s0 =	rddreg [dreg:$0x2];
	s3 =	simm.s32 $0x0;
	s1 =	stileid.u32  }
0x4: {  	s4 =	srdreg.scid;
	s14 =	simm.s32 $0x1;
	s6 =	smul.u32 $0x9E0, s1  }
0x5: {  	[smem:$0x7FF] =	sst s3;
	s15 =	smul.u32 $0x2780, s1;
	s7 =	sand.u32 $0x1, s4  }
0x6: {  	s4 =	sadd.s32 $0x21600, s5;
	s11 =	smul.u32 $0x4F000, s1;
	s29 =	sshll.u32 s1, $0x6  }
0x7: {  	_ =	strace $0x8000004A;
	s8 =	smul.u32 $0x27800, s7;
	s9 =	ssub.s32 $0x2, s7  }
0x8: {  	s30 =	smul.u32 $0x4F0, s7;
	s10 =	sadd.s32 s6, s5;
	s26 =	sshrl.u32 s9, $0x1  }
0x9: {  	s12 =	sadd.s32 s15, s5;
	s28 =	sshrl.u32 s11, $0x2;
	s6 =	sor.u32 $0x1C02, s29  }
0xa: {  	s11 =	simm.s32 $0x2;
	s8 =	sadd.s32 s8, s5;
	s9 =	ssub.s32 s9, s26  }
0xb: {  	s13 =	sadd.s32 s28, s2;
	s5 =	sadd.s32 $0x48E00, s12;
	s31 =	sadd.s32 s30, s10  }
0xc: {  	s12 =	simm.s32 $0x80;
	s16 =	sadd.s32 $0x70600, s8;
	s7 =	smax.u32 s9, $0x1  }
0xd: {  	s8 =	sadd.s32 $0x3600, s31;
	s9 =	sadd.s32 $0x17800, s31;
	s10 =	sshrl.u32 s13, $0x3  }
0xe: {  	s13 =	simm.s32 $0x100;
	s15 =	sadd.s32 s15, s16;
	s16 =	simm.s32 $0x0  }
.LBB2_1:
0xf: {  	[spmem:s10], [sflag:s6] =	dma.local [hbm:s5], $0x2780  }
0x10: {  	_ =	swait.ge [sflag:s11], $0x2780  }
0x11: {  	[sflag:s11] =	ssyncset.done $0x0  }
0x12: {  	[sflag:s11] =	ssyncadd.s32 $0xFFFFD880  }
0x13: {  	s17 =	sadd.s32 $0x0, s9;
	[bflag:$0x0] =	sbarrier.arrive $0xFFFF  }
0x14: {  	[tilespmem:s3], [sflag:$0x2] =	stream.linear.gather [hbm4b:s17+s3], $0x80, $0x38;
	[tilespmem:$0x17D00] =	vst v63  }
0x15: {  	_ =	swait.ge [sflag:s11], $0x80  }
0x16: {  	[sflag:s11] =	ssyncset.done $0x0  }
0x17: {  	s31 =	sadd.s32 $0x0, s8;
	[sflag:s11] =	ssyncadd.s32 $0xFFFFFF80  }
0x18: {  	[tilespmem:s12], [sflag:$0x2] =	stream.linear.gather [hbm4b:s31+s3], $0x80, $0x38;
	[tilespmem:$0x17D00] =	vst v63  }
0x19: {  	_ =	swait.ge [sflag:s11], $0x80  }
0x1a: {  	[sflag:s11] =	ssyncset.done $0x0  }
0x1b: {  	[sflag:s11] =	ssyncadd.s32 $0xFFFFFF80  }
0x1c: {  	[tilespmem:s13], [sflag:$0x1] =	stream.indirect.gather [hbm4b:s4+s12], $0x80, s3, s12, $0xb8;
	[tilespmem:$0x17D00] =	vst v63  }
0x1d: {  	_ =	swait.ge [sflag:s14], $0x4000  }
0x1e: {  	[sflag:s14] =	ssyncset.done $0x0  }
0x1f: {  	[sflag:s14] =	ssyncadd.s32 $0xFFFFC000  }
0x20: {  	[spmem:s2] =	stream.indirect.scatter.add.f32 [tilespmem:s13], [sflag:$0x2], $0x80, s12, s12, $0xb8;
	[tilespmem:$0x17D00] =	vst v63  }
0x21: {  	_ =	swait.ge [sflag:s11], $0x4000  }
0x22: {  	s18 =	simm.s32 $0x20;
	s17 =	simm.s32 $0x10;
	[sflag:s11] =	ssyncset.done $0x0  }
.LBB2_2:
0x23: {  	s19 =	sadd.s32 s17, s9  }
0x24: {  	[sflag:s11] =	ssyncadd.s32 $0xFFFFC000;
	s20 =	smov.u32 s18;
	s21 =	sadd.s32 $0x10, s18  }
0x25: {  	[tilespmem:s3], [sflag:$0x2] =	stream.linear.gather [hbm4b:s19+s3], $0x80, $0x38;
	[tilespmem:$0x17D00] =	vst v63  }
0x26: {  	p0 =	sne.s32 s18, $0x4E0;
	_ =	swait.ge [sflag:s11], $0x80  }
0x27: {  	[sflag:s11] =	ssyncset.done $0x0  }
0x28: {  	s18 =	sadd.s32 s17, s8;
	s17 =	smov.u32 s20;
	[sflag:s11] =	ssyncadd.s32 $0xFFFFFF80  }
0x29: {  	[tilespmem:s12], [sflag:$0x2] =	stream.linear.gather [hbm4b:s18+s3], $0x80, $0x38;
	[tilespmem:$0x17D00] =	vst v63  }
0x2a: {  	_ =	swait.ge [sflag:s11], $0x80  }
0x2b: {  	[sflag:s11] =	ssyncset.done $0x0  }
0x2c: {  	[sflag:s11] =	ssyncadd.s32 $0xFFFFFF80  }
0x2d: {  	[tilespmem:s13], [sflag:$0x1] =	stream.indirect.gather [hbm4b:s4+s12], $0x80, s3, s12, $0xb8;
	[tilespmem:$0x17D00] =	vst v63  }
0x2e: {  	_ =	swait.ge [sflag:s14], $0x4000  }
.Ltmp0:
0x2f: {  	[sflag:s14] =	ssyncset.done $0x0;
	(pc) =	sbr.rel @p0 .LBB2_2-.Ltmp0, $4  }
0x30: {  	[sflag:s14] =	ssyncadd.s32 $0xFFFFC000  }
0x31: {  	[spmem:s2] =	stream.indirect.scatter.add.f32 [tilespmem:s13], [sflag:$0x2], $0x80, s12, s12, $0xb8;
	[tilespmem:$0x17D00] =	vst v63  }
0x32: {  	_ =	swait.ge [sflag:s11], $0x4000  }
0x33: {  	s18 =	smov.u32 s21;
	[sflag:s11] =	ssyncset.done $0x0  }
0x34: {  	s18 =	sadd.s32 s17, s9;
	[sflag:s11] =	ssyncadd.s32 $0xFFFFC000  }
0x35: {  	[tilespmem:s3], [sflag:$0x2] =	stream.linear.gather [hbm4b:s18+s3], $0x80, $0x38;
	[tilespmem:$0x17D00] =	vst v63  }
0x36: {  	_ =	swait.ge [sflag:s11], $0x80  }
0x37: {  	[sflag:s11] =	ssyncset.done $0x0  }
0x38: {  	s31 =	sadd.s32 s17, s8;
	[sflag:s11] =	ssyncadd.s32 $0xFFFFFF80  }
0x39: {  	[tilespmem:s12], [sflag:$0x2] =	stream.linear.gather [hbm4b:s31+s3], $0x80, $0x38;
	[tilespmem:$0x17D00] =	vst v63  }
0x3a: {  	_ =	swait.ge [sflag:s11], $0x80  }
0x3b: {  	[sflag:s11] =	ssyncset.done $0x0  }
0x3c: {  	[sflag:s11] =	ssyncadd.s32 $0xFFFFFF80  }
0x3d: {  	[tilespmem:s13], [sflag:$0x1] =	stream.indirect.gather [hbm4b:s4+s12], $0x80, s3, s12, $0xb8;
	[tilespmem:$0x17D00] =	vst v63  }
0x3e: {  	_ =	swait.ge [sflag:s14], $0x4000  }
0x3f: {  	[sflag:s14] =	ssyncset.done $0x0  }
0x40: {  	[sflag:s14] =	ssyncadd.s32 $0xFFFFC000  }
0x41: {  	[spmem:s2] =	stream.indirect.scatter.add.f32 [tilespmem:s13], [sflag:$0x2], $0x80, s12, s12, $0xb8;
	[tilespmem:$0x17D00] =	vst v63  }
0x42: {  	_ =	swait.ge [sflag:s11], $0x4000  }
0x43: {  	s16 =	sadd.s32 $0x1, s16;
	[sflag:s11] =	ssyncset.done $0x0  }
0x44: {  	p0 =	sne.s32 s16, s7;
	[sflag:s11] =	ssyncadd.s32 $0xFFFFC000  }
.Ltmp1:
0x45: {  	[bflag:$0x0] =	sbarrier.arrive $0xFFFF;
	(pc) =	sbr.rel @p0 .LBB2_1-.Ltmp1, $4  }
0x46: {  	[hbm:s15], [sflag:s6] =	dma.local [spmem:s10], $0x2780  }
0x47: {  	_ =	swait.ge [sflag:s11], $0x2780  }
0x48: {  	[sflag:s11] =	ssyncset.done $0x0  }
0x49: {  	[sflag:s11] =	ssyncadd.s32 $0xFFFFD880  }
0x4a: {  	_ =	sfence.sel $0x180000  }
0x4b: {  	[bflag:$0x0] =	sbarrier.arrive $0xFFFF  }
0x4c: {  	p0 =	sne.s32 s1, $0x0;
	_ =	strace $0x9000004A  }
0x4d: {  	s0 =	sadd.s32 @!p0 $0x100000, s0;
	[bflag:$0x2] =	sbarrier.arrive $0xFFFF  }
0x4e: {  	[sflag:s0] =	ssyncadd.tile.s32 @!p0 $0x1;
	_ =	shalt  }
.Lfunc_end2:
_tile_overlayer_lowered:
.L_overlay_start_2:
0x4f: {  	(tag) =	ssettag $0x2  }
0x50: {  	s0 =	rddreg [dreg:$0x0];
	s2 =	stileid.u32  }
0x51: {  	s1 =	rddreg [dreg:$0x1];
	p0 =	sne.s32 s2, $0x0  }
0x52: {  	s3 =	rddreg [dreg:$0x2];
	[bflag:$0x3] =	sbarrier.arrive $0xFFFF;
	s2 =	simm.s32 @!p0 $0x1C02  }
0x53: {  	[timem:s3], [sflag:s2] =	dma.local @!p0 [hbm:s0], s1  }
0x54: {  	s0 =	simm.s32 @!p0 $0x2  }
0x55: {  	_ =	swait.ge @!p0 [sflag:s0], s1  }
0x56: {  	s1 =	ssub.s32 @!p0 $0x0, s1;
	[sflag:s0] =	ssyncset.done @!p0 $0x0  }
0x57: {  	[sflag:s0] =	ssyncadd.s32 @!p0 s1  }
0x58: {  	[bflag:$0x3] =	sbarrier.arrive $0xFFFF  }
0x59: {  	_ =	shalt  }

// kernel: kernel.14.cloned.1.call-start
scs
__scs_entry_jumppad:
0x0: {  	(pc) =	sbr.rel $0x88, $3  }
0x1: {  	(tag) =	ssettag $0x0;
	lr =	simm.s32 $0x1  }
0x2: {  	[smem:$0x3F94] =	sst lr;
	_ =	strace $0xD0000000  }
0x3: {  	_ = 	snop  }
0x4: {  	_ = 	snop  }
0x5: {  	_ = 	snop  }
0x6: {  	_ = 	snop  }
0x7: {  	_ = 	snop  }
__scs_overlays_trampoline_lowered:
0x8: {  	[smem:$0x3FA3] =	sst s0  }
0x9: {  	[smem:$0x3FA4] =	sst s1  }
0xa: {  	[smem:$0x3FA5] =	sst s2  }
0xb: {  	[smem:$0x3FA6] =	sst s3  }
0xc: {  	[smem:$0x3FA7] =	sst s4  }
0xd: {  	[smem:$0x3FA8] =	sst s5  }
0xe: {  	[smem:$0x3FA9] =	sst s6  }
0xf: {  	[smem:$0x3FAA] =	sst s7  }
0x10: {  	[smem:$0x3FAB] =	sst s8  }
0x11: {  	[smem:$0x3FAC] =	sst s9;
	s0 =	simm.s32 @!p0 $0x0  }
0x12: {  	s1 =	sld [smem:$0x3F92];
	s0 =	simm.s32 @p0 $0x1  }
0x13: {  	[smem:$0x3FAD] =	sst s0;
	s0 =	simm.s32 @!p1 $0x0  }
0x14: {  	s2 =	sld [smem:$0x3F91];
	s0 =	simm.s32 @p1 $0x1  }
0x15: {  	[smem:$0x3FAE] =	sst s0;
	s0 =	simm.s32 @!p2 $0x0  }
0x16: {  	s3 =	sld [smem:$0x3FDB];
	s0 =	simm.s32 @p2 $0x1  }
0x17: {  	s4 =	simm.s32 $0x1BF5;
	[smem:$0x3FB0] =	sst s0  }
0x18: {  	s0 =	sld [smem:$0x3F93];
	_ =	swait.ge [sflag:s4], $0x0  }
0x19: {  	s7 =	sld [smem:$0x3F94]  }
0x1a: {  	s8 =	sadd.s32 $0xFFFFE003, lr  }
0x1b: {  	s9 =	sadd.s32 $0xFFFFFEF7, lr;
	s5 =	simm.s32 $0xFFFFFFFF;
	p2 =	slt.u32 s8, $0xFFFFF086  }
0x1c: {  	p1 =	slt.u32 s9, $0xF7A;
	s5 =	simm.s32 @!p2 $0x0  }
0x1d: {  	s5 =	simm.s32 @p1 $0x1;
	p0 =	seq.s32 s7, s2  }
0x1e: {  	s7 =	smul.u32 @!p0 $0xF7A, s2;
	p2 =	seq.s32 @!p0 s5, $0x0  }
0x1f: {  	s9 =	smul.u32 $0xF7A, s1;
	s8 =	simm.s32 @!p0 $0x1BF5;
	p2 =	por !p2, p0  }
0x20: {  	[sflag:s8] =	ssyncset.s32 @!p0 $0xFFFFF086;
	s6 =	sadd.s32 @!p0 s3, s7;
	s7 =	simm.s32 @!p0 $0x108  }
0x21: {  	s3 =	sadd.s32 s3, s9;
	s6 =	sadd.s32 @!p0 $0x88, s6;
	s7 =	simm.s32 @p2 $0x1082  }
0x22: {  	[simem:s7], [sflag:s8] =	dma.local @!p0 [hbm:s6], $0xF7A  }
0x23: {  	s9 =	sor.u32 $0xD0000000, s2;
	s6 =	simm.s32 $0x108;
	_ =	swait.ge @!p0 [sflag:s8], $0x0  }
0x24: {  	s3 =	sadd.s32 $0x88, s3;
	s6 =	simm.s32 @!p1 $0x1082;
	[sflag:s4] =	ssyncset.s32 $0xFFFFF086  }
0x25: {  	[simem:s6], [sflag:s4] =	dma.local [hbm:s3], $0xF7A  }
0x26: {  	[smem:$0x3F94] =	sst s1;
	(tag) =	ssettag s2;
	_ =	strace s9  }
0x27: {  	s1 =	sld [smem:$0x3FA4]  }
0x28: {  	s2 =	sld [smem:$0x3FA5]  }
0x29: {  	s4 =	sld [smem:$0x3FA7]  }
0x2a: {  	p0 =	seq.s32 s5, $0x0;
	s5 =	sld [smem:$0x3FA8]  }
0x2b: {  	s6 =	sld [smem:$0x3FA9]  }
0x2c: {  	s7 =	sld [smem:$0x3FAA]  }
0x2d: {  	s3 =	simm.s32 $0x108;
	s8 =	sld [smem:$0x3FAB]  }
0x2e: {  	s3 =	simm.s32 @!p0 $0x1082;
	s9 =	sld [smem:$0x3FAC]  }
0x2f: {  	lr =	sadd.s32 s0, s3;
	s0 =	sld [smem:$0x3FA3]  }
0x30: {  	s3 =	sld [smem:$0x3FA6]  }
0x31: {  	[smem:$0x3FAF] =	sst s10  }
0x32: {  	s10 =	sld [smem:$0x3FAD];
	_ =	sdelay $0x3  }
0x33: {  	p0 =	seq.s32 s10, $0x1;
	s10 =	sld [smem:$0x3FAF];
	_ =	sdelay $0x3  }
0x34: {  	[smem:$0x3FAF] =	sst s10  }
0x35: {  	s10 =	sld [smem:$0x3FAE];
	_ =	sdelay $0x3  }
0x36: {  	p1 =	seq.s32 s10, $0x1;
	s10 =	sld [smem:$0x3FAF];
	_ =	sdelay $0x3  }
0x37: {  	[smem:$0x3FAF] =	sst s10  }
0x38: {  	s10 =	sld [smem:$0x3FB0]  }
0x39: {  	_ = 	snop;
	(pc) =	sbr.ind lr, $3  }
0x3a: {  	_ = 	snop  }
0x3b: {  	_ = 	snop  }
0x3c: {  	p2 =	seq.s32 s10, $0x1;
	s10 =	sld [smem:$0x3FAF]  }
0x3d: {  	_ =	shalt  }
0x3e: {  	_ =	shalt  }
0x3f: {  	_ =	shalt  }
0x40: {  	_ =	shalt  }
0x41: {  	_ =	shalt  }
0x42: {  	_ =	shalt  }
0x43: {  	_ =	shalt  }
0x44: {  	_ =	shalt  }
0x45: {  	_ =	shalt  }
0x46: {  	_ =	shalt  }
0x47: {  	_ =	shalt  }
0x48: {  	_ =	shalt  }
0x49: {  	_ =	shalt  }
0x4a: {  	_ =	shalt  }
0x4b: {  	_ =	shalt  }
0x4c: {  	_ =	shalt  }
0x4d: {  	_ =	shalt  }
0x4e: {  	_ =	shalt  }
0x4f: {  	_ =	shalt  }
0x50: {  	_ =	shalt  }
0x51: {  	_ =	shalt  }
0x52: {  	_ =	shalt  }
0x53: {  	_ =	shalt  }
0x54: {  	_ =	shalt  }
0x55: {  	_ =	shalt  }
0x56: {  	_ =	shalt  }
0x57: {  	_ =	shalt  }
0x58: {  	_ =	shalt  }
0x59: {  	_ =	shalt  }
0x5a: {  	_ =	shalt  }
0x5b: {  	_ =	shalt  }
0x5c: {  	_ =	shalt  }
0x5d: {  	_ =	shalt  }
0x5e: {  	_ =	shalt  }
0x5f: {  	_ =	shalt  }
0x60: {  	_ =	shalt  }
0x61: {  	_ =	shalt  }
0x62: {  	_ =	shalt  }
0x63: {  	_ =	shalt  }
0x64: {  	_ =	shalt  }
0x65: {  	_ =	shalt  }
0x66: {  	_ =	shalt  }
0x67: {  	_ =	shalt  }
0x68: {  	_ =	shalt  }
0x69: {  	_ =	shalt  }
0x6a: {  	_ =	shalt  }
0x6b: {  	_ =	shalt  }
0x6c: {  	_ =	shalt  }
0x6d: {  	_ =	shalt  }
0x6e: {  	_ =	shalt  }
0x6f: {  	_ =	shalt  }
0x70: {  	_ =	shalt  }
0x71: {  	_ =	shalt  }
0x72: {  	_ =	shalt  }
0x73: {  	_ =	shalt  }
0x74: {  	_ =	shalt  }
0x75: {  	_ =	shalt  }
0x76: {  	_ =	shalt  }
0x77: {  	_ =	shalt  }
0x78: {  	_ =	shalt  }
0x79: {  	_ =	shalt  }
0x7a: {  	_ =	shalt  }
0x7b: {  	_ =	shalt  }
0x7c: {  	_ =	shalt  }
0x7d: {  	_ =	shalt  }
0x7e: {  	_ =	shalt  }
0x7f: {  	_ =	shalt  }
0x80: {  	_ =	shalt  }
0x81: {  	_ =	shalt  }
0x82: {  	_ =	shalt  }
0x83: {  	_ =	shalt  }
0x84: {  	_ =	shalt  }
0x85: {  	_ =	shalt  }
0x86: {  	_ =	shalt  }
0x87: {  	_ =	shalt  }
.Lfunc_end0:
.L_simem_size_0:
called_computation.2_lowered:
.L_overlay_start_0:
0x88: {  	s2 =	sld [smem:$0x3FD9]  }
0x89: {  	s3 =	sld [smem:$0x3FFE];
	_ =	sdelay $0x1  }
0x8a: {  	s1 =	srdreg.scid  }
0x8b: {  	s0 =	sand.u32 $0x1, s1  }
0x8c: {  	s16 =	sshll.u32 s0, $0xA;
	s2 =	sadd.s32 s3, s2  }
0x8d: {  	s2 =	sadd.s32 s2, s16  }
0x8e: {  	[smem:$0x3FBB] =	sst s2  }
0x8f: {  	_ = 	snop  }
0x90: {  	(tm) =	ssettm $0x1  }
0x91: {  	s17 =	sld [smem:$0x3FFB];
	_ =	sdelay $0x3  }
0x92: {  	_ =	strace s17  }
0x93: {  	s2 =	sld [smem:$0x3FFC];
	_ =	sdelay $0x3  }
0x94: {  	_ =	strace s2  }
0x95: {  	s2 =	sld [smem:$0x3FFD];
	_ =	sdelay $0x3  }
0x96: {  	_ =	strace s2  }
0x97: {  	_ =	strace $0x8FFFFFFF  }
0x98: {  	s18 =	sld [smem:$0x3FDB];
	_ =	sdelay $0x1  }
0x99: {  	s19 =	simm.s32 $_scs_section_size  }
0x9a: {  	s4 =	simm.s32 $_size__tile_overlayer_lowered;
	s5 =	simm.s32 $_tile_overlayer_lowered  }
0x9b: {  	s22 =	simm.s32 $0x1BFF;
	s21 =	sshll.u32 s5, $0x1;
	s2 =	sadd.s32 s19, s18  }
0x9c: {  	s6 =	simm.s32 $0x0;
	s20 =	sshll.u32 s4, $0x1;
	s4 =	sadd.s32 s21, s2  }
0x9d: {  	[timem:s6], [sflag:s22] =	dma.local [hbm:s4], s20  }
0x9e: {  	_ =	swait.ge [sflag:s22], s20  }
0x9f: {  	s3 =	ssub.s32 $0x0, s20;
	[sflag:s22] =	ssyncset.done $0x0  }
0xa0: {  	[sflag:s22] =	ssyncadd.s32 s3;
	_ =	sdelay $0x1  }
0xa1: {  	s23 =	simm.s32 $0x1B8B  }
0xa2: {  	_ =	swait.ge [sflag:s23], $0x1  }
0xa3: {  	[sflag:s23] =	ssyncset.done $0x0  }
0xa4: {  	s25 =	simm.s32 $0x1B8E;
	s24 =	sld [smem:$0x3FFE];
	[sflag:s23] =	ssyncadd.s32 $0xFFFFFFFF  }
0xa5: {  	s26 =	simm.s32 $execute0_lowered;
	[smem:$0x3FD2] =	sst s25  }
0xa6: {  	s4 =	sshll.u32 s26, $0x1;
	_ =	strace $0x8000004C;
	[dreg:$0x1] =	wrdreg $0xFFFFFFFF  }
0xa7: {  	s28 =	simm.s32 $_size_execute0_lowered;
	s2 =	sadd.s32 s2, s4;
	[dreg:$0x0] =	wrdreg $0x0  }
0xa8: {  	s4 =	sshll.u32 s28, $0x1;
	[dreg:$0x2] =	wrdreg s2  }
0xa9: {  	[dreg:$0x3] =	wrdreg s4  }
0xaa: {  	[dreg:$0x4] =	wrdreg $0xC0  }
0xab: {  	_ =	task [dreg:s6], $0x5FFFF  }
0xac: {  	[dreg:$0x1] =	wrdreg $0xFFFFFFFF  }
0xad: {  	[dreg:$0x0] =	wrdreg $0x60  }
0xae: {  	[dreg:$0x2] =	wrdreg s24  }
0xaf: {  	[dreg:$0x3] =	wrdreg $0x41000  }
0xb0: {  	[dreg:$0x4] =	wrdreg $0x9  }
0xb1: {  	_ =	task.clear_ibuf [dreg:s6], $0x5FFFF;
	_ =	strace $0x9000004C  }
0xb2: {  	s29 =	simm.s32 $0x9;
	_ =	strace $0x8000004E  }
0xb3: {  	_ =	swait.ge [sflag:s29], $0x1  }
0xb4: {  	[sflag:s29] =	ssyncadd.s32 $0xFFFFFFFF  }
0xb5: {  	_ =	strace $0x9000004E  }
0xb6: {  	_ =	sfence  }
0xb7: {  	s30 =	sld [smem:$0x0];
	_ =	sdelay $0x2  }
0xb8: {  	s31 =	sshll.u32 s1, $0xD;
	s1 =	sshrl.u32 s1, $0x2  }
0xb9: {  	s3 =	sand.u32 $0x4000, s31;
	s1 =	sadd.s32 s1, s30  }
0xba: {  	s0 =	sor.u32 s3, s0;
	s1 =	sshll.u32 s1, $0x11  }
0xbb: {  	s0 =	sor.u32 s1, s0  }
0xbc: {  	s0 =	sadd.s32 $0x8F2B, s0  }
0xbd: {  	[sflag:s0] =	ssyncadd.remote.s32 $0x1  }
0xbe: {  	_ =	sfence.sel $0xFFFF  }
0xbf: {  	[dreg:$0x0] =	wrdreg $0xFFFFFFFF;
	(pc) =	sbr.abs _section_cstart, $3  }
0xc0: {  	[dreg:$0x1] =	wrdreg $0xFFFFFFFF  }
0xc1: {  	_ =	task.clear_ibuf [dreg:s6], $0x2FFFF;
	_ =	strace $0x9FFFFFFF  }
0xc2: {  	(tm) =	ssettm $0x7FFFFFFF  }
0xc3: {  	_ =	shalt  }
tec
execute0_lowered:
.L_overlay_start_1:
0x0: {  	(tag) =	ssettag $0x1  }
0x1: {  	s5 =	rddreg [dreg:$0x0]  }
0x2: {  	s2 =	rddreg [dreg:$0x1]  }
0x3: {  	s0 =	rddreg [dreg:$0x2];
	s3 =	simm.s32 $0x0;
	s1 =	stileid.u32  }
0x4: {  	s4 =	srdreg.scid;
	s14 =	simm.s32 $0x1;
	s6 =	smul.u32 $0x9E0, s1  }
0x5: {  	[smem:$0x7FF] =	sst s3;
	s15 =	smul.u32 $0x2780, s1;
	s7 =	sand.u32 $0x1, s4  }
0x6: {  	s4 =	sadd.s32 $0x21600, s5;
	s11 =	smul.u32 $0x4F000, s1;
	s29 =	sshll.u32 s1, $0x6  }
0x7: {  	_ =	strace $0x8000004D;
	s8 =	smul.u32 $0x27800, s7;
	s9 =	ssub.s32 $0x2, s7  }
0x8: {  	s30 =	smul.u32 $0x4F0, s7;
	s10 =	sadd.s32 s6, s5;
	s26 =	sshrl.u32 s9, $0x1  }
0x9: {  	s12 =	sadd.s32 s15, s5;
	s28 =	sshrl.u32 s11, $0x2;
	s6 =	sor.u32 $0x1C02, s29  }
0xa: {  	s11 =	simm.s32 $0x2;
	s8 =	sadd.s32 s8, s5;
	s9 =	ssub.s32 s9, s26  }
0xb: {  	s13 =	sadd.s32 s28, s2;
	s5 =	sadd.s32 $0x48E00, s12;
	s31 =	sadd.s32 s30, s10  }
0xc: {  	s12 =	simm.s32 $0x80;
	s16 =	sadd.s32 $0x70600, s8;
	s7 =	smax.u32 s9, $0x1  }
0xd: {  	s8 =	sadd.s32 $0x3600, s31;
	s9 =	sadd.s32 $0x17800, s31;
	s10 =	sshrl.u32 s13, $0x3  }
0xe: {  	s13 =	simm.s32 $0x100;
	s15 =	sadd.s32 s15, s16;
	s16 =	simm.s32 $0x0  }
.LBB2_1:
0xf: {  	[spmem:s10], [sflag:s6] =	dma.local [hbm:s5], $0x2780  }
0x10: {  	_ =	swait.ge [sflag:s11], $0x2780  }
0x11: {  	[sflag:s11] =	ssyncset.done $0x0  }
0x12: {  	[sflag:s11] =	ssyncadd.s32 $0xFFFFD880  }
0x13: {  	s17 =	sadd.s32 $0x0, s9;
	[bflag:$0x0] =	sbarrier.arrive $0xFFFF  }
0x14: {  	[tilespmem:s3], [sflag:$0x2] =	stream.linear.gather [hbm4b:s17+s3], $0x80, $0x38;
	[tilespmem:$0x17D00] =	vst v63  }
0x15: {  	_ =	swait.ge [sflag:s11], $0x80  }
0x16: {  	[sflag:s11] =	ssyncset.done $0x0  }
0x17: {  	s31 =	sadd.s32 $0x0, s8;
	[sflag:s11] =	ssyncadd.s32 $0xFFFFFF80  }
0x18: {  	[tilespmem:s12], [sflag:$0x2] =	stream.linear.gather [hbm4b:s31+s3], $0x80, $0x38;
	[tilespmem:$0x17D00] =	vst v63  }
0x19: {  	_ =	swait.ge [sflag:s11], $0x80  }
0x1a: {  	[sflag:s11] =	ssyncset.done $0x0  }
0x1b: {  	[sflag:s11] =	ssyncadd.s32 $0xFFFFFF80  }
0x1c: {  	[tilespmem:s13], [sflag:$0x1] =	stream.indirect.gather [hbm4b:s4+s12], $0x80, s3, s12, $0xb8;
	[tilespmem:$0x17D00] =	vst v63  }
0x1d: {  	_ =	swait.ge [sflag:s14], $0x4000  }
0x1e: {  	[sflag:s14] =	ssyncset.done $0x0  }
0x1f: {  	[sflag:s14] =	ssyncadd.s32 $0xFFFFC000  }
0x20: {  	[spmem:s2] =	stream.indirect.scatter.add.f32 [tilespmem:s13], [sflag:$0x2], $0x80, s12, s12, $0xb8;
	[tilespmem:$0x17D00] =	vst v63  }
0x21: {  	_ =	swait.ge [sflag:s11], $0x4000  }
0x22: {  	s18 =	simm.s32 $0x20;
	s17 =	simm.s32 $0x10;
	[sflag:s11] =	ssyncset.done $0x0  }
.LBB2_2:
0x23: {  	s19 =	sadd.s32 s17, s9  }
0x24: {  	[sflag:s11] =	ssyncadd.s32 $0xFFFFC000;
	s20 =	smov.u32 s18;
	s21 =	sadd.s32 $0x10, s18  }
0x25: {  	[tilespmem:s3], [sflag:$0x2] =	stream.linear.gather [hbm4b:s19+s3], $0x80, $0x38;
	[tilespmem:$0x17D00] =	vst v63  }
0x26: {  	p0 =	sne.s32 s18, $0x4E0;
	_ =	swait.ge [sflag:s11], $0x80  }
0x27: {  	[sflag:s11] =	ssyncset.done $0x0  }
0x28: {  	s18 =	sadd.s32 s17, s8;
	s17 =	smov.u32 s20;
	[sflag:s11] =	ssyncadd.s32 $0xFFFFFF80  }
0x29: {  	[tilespmem:s12], [sflag:$0x2] =	stream.linear.gather [hbm4b:s18+s3], $0x80, $0x38;
	[tilespmem:$0x17D00] =	vst v63  }
0x2a: {  	_ =	swait.ge [sflag:s11], $0x80  }
0x2b: {  	[sflag:s11] =	ssyncset.done $0x0  }
0x2c: {  	[sflag:s11] =	ssyncadd.s32 $0xFFFFFF80  }
0x2d: {  	[tilespmem:s13], [sflag:$0x1] =	stream.indirect.gather [hbm4b:s4+s12], $0x80, s3, s12, $0xb8;
	[tilespmem:$0x17D00] =	vst v63  }
0x2e: {  	_ =	swait.ge [sflag:s14], $0x4000  }
.Ltmp0:
0x2f: {  	[sflag:s14] =	ssyncset.done $0x0;
	(pc) =	sbr.rel @p0 .LBB2_2-.Ltmp0, $4  }
0x30: {  	[sflag:s14] =	ssyncadd.s32 $0xFFFFC000  }
0x31: {  	[spmem:s2] =	stream.indirect.scatter.add.f32 [tilespmem:s13], [sflag:$0x2], $0x80, s12, s12, $0xb8;
	[tilespmem:$0x17D00] =	vst v63  }
0x32: {  	_ =	swait.ge [sflag:s11], $0x4000  }
0x33: {  	s18 =	smov.u32 s21;
	[sflag:s11] =	ssyncset.done $0x0  }
0x34: {  	s18 =	sadd.s32 s17, s9;
	[sflag:s11] =	ssyncadd.s32 $0xFFFFC000  }
0x35: {  	[tilespmem:s3], [sflag:$0x2] =	stream.linear.gather [hbm4b:s18+s3], $0x80, $0x38;
	[tilespmem:$0x17D00] =	vst v63  }
0x36: {  	_ =	swait.ge [sflag:s11], $0x80  }
0x37: {  	[sflag:s11] =	ssyncset.done $0x0  }
0x38: {  	s31 =	sadd.s32 s17, s8;
	[sflag:s11] =	ssyncadd.s32 $0xFFFFFF80  }
0x39: {  	[tilespmem:s12], [sflag:$0x2] =	stream.linear.gather [hbm4b:s31+s3], $0x80, $0x38;
	[tilespmem:$0x17D00] =	vst v63  }
0x3a: {  	_ =	swait.ge [sflag:s11], $0x80  }
0x3b: {  	[sflag:s11] =	ssyncset.done $0x0  }
0x3c: {  	[sflag:s11] =	ssyncadd.s32 $0xFFFFFF80  }
0x3d: {  	[tilespmem:s13], [sflag:$0x1] =	stream.indirect.gather [hbm4b:s4+s12], $0x80, s3, s12, $0xb8;
	[tilespmem:$0x17D00] =	vst v63  }
0x3e: {  	_ =	swait.ge [sflag:s14], $0x4000  }
0x3f: {  	[sflag:s14] =	ssyncset.done $0x0  }
0x40: {  	[sflag:s14] =	ssyncadd.s32 $0xFFFFC000  }
0x41: {  	[spmem:s2] =	stream.indirect.scatter.add.f32 [tilespmem:s13], [sflag:$0x2], $0x80, s12, s12, $0xb8;
	[tilespmem:$0x17D00] =	vst v63  }
0x42: {  	_ =	swait.ge [sflag:s11], $0x4000  }
0x43: {  	s16 =	sadd.s32 $0x1, s16;
	[sflag:s11] =	ssyncset.done $0x0  }
0x44: {  	p0 =	sne.s32 s16, s7;
	[sflag:s11] =	ssyncadd.s32 $0xFFFFC000  }
.Ltmp1:
0x45: {  	[bflag:$0x0] =	sbarrier.arrive $0xFFFF;
	(pc) =	sbr.rel @p0 .LBB2_1-.Ltmp1, $4  }
0x46: {  	[hbm:s15], [sflag:s6] =	dma.local [spmem:s10], $0x2780  }
0x47: {  	_ =	swait.ge [sflag:s11], $0x2780  }
0x48: {  	[sflag:s11] =	ssyncset.done $0x0  }
0x49: {  	[sflag:s11] =	ssyncadd.s32 $0xFFFFD880  }
0x4a: {  	_ =	sfence.sel $0x180000  }
0x4b: {  	[bflag:$0x0] =	sbarrier.arrive $0xFFFF  }
0x4c: {  	p0 =	sne.s32 s1, $0x0;
	_ =	strace $0x9000004D  }
0x4d: {  	s0 =	sadd.s32 @!p0 $0x100000, s0;
	[bflag:$0x2] =	sbarrier.arrive $0xFFFF  }
0x4e: {  	[sflag:s0] =	ssyncadd.tile.s32 @!p0 $0x1;
	_ =	shalt  }
.Lfunc_end2:
_tile_overlayer_lowered:
.L_overlay_start_2:
0x4f: {  	(tag) =	ssettag $0x2  }
0x50: {  	s0 =	rddreg [dreg:$0x0];
	s2 =	stileid.u32  }
0x51: {  	s1 =	rddreg [dreg:$0x1];
	p0 =	sne.s32 s2, $0x0  }
0x52: {  	s3 =	rddreg [dreg:$0x2];
	[bflag:$0x3] =	sbarrier.arrive $0xFFFF;
	s2 =	simm.s32 @!p0 $0x1C02  }
0x53: {  	[timem:s3], [sflag:s2] =	dma.local @!p0 [hbm:s0], s1  }
0x54: {  	s0 =	simm.s32 @!p0 $0x2  }
0x55: {  	_ =	swait.ge @!p0 [sflag:s0], s1  }
0x56: {  	s1 =	ssub.s32 @!p0 $0x0, s1;
	[sflag:s0] =	ssyncset.done @!p0 $0x0  }
0x57: {  	[sflag:s0] =	ssyncadd.s32 @!p0 s1  }
0x58: {  	[bflag:$0x3] =	sbarrier.arrive $0xFFFF  }
0x59: {  	_ =	shalt  }

// kernel: kernel.8.cloned.1.call-start
scs
__scs_entry_jumppad:
0x0: {  	(pc) =	sbr.rel $0x88, $3  }
0x1: {  	(tag) =	ssettag $0x0;
	lr =	simm.s32 $0x1  }
0x2: {  	[smem:$0x3F94] =	sst lr;
	_ =	strace $0xD0000000  }
0x3: {  	_ = 	snop  }
0x4: {  	_ = 	snop  }
0x5: {  	_ = 	snop  }
0x6: {  	_ = 	snop  }
0x7: {  	_ = 	snop  }
__scs_overlays_trampoline_lowered:
0x8: {  	[smem:$0x3FA3] =	sst s0  }
0x9: {  	[smem:$0x3FA4] =	sst s1  }
0xa: {  	[smem:$0x3FA5] =	sst s2  }
0xb: {  	[smem:$0x3FA6] =	sst s3  }
0xc: {  	[smem:$0x3FA7] =	sst s4  }
0xd: {  	[smem:$0x3FA8] =	sst s5  }
0xe: {  	[smem:$0x3FA9] =	sst s6  }
0xf: {  	[smem:$0x3FAA] =	sst s7  }
0x10: {  	[smem:$0x3FAB] =	sst s8  }
0x11: {  	[smem:$0x3FAC] =	sst s9;
	s0 =	simm.s32 @!p0 $0x0  }
0x12: {  	s1 =	sld [smem:$0x3F92];
	s0 =	simm.s32 @p0 $0x1  }
0x13: {  	[smem:$0x3FAD] =	sst s0;
	s0 =	simm.s32 @!p1 $0x0  }
0x14: {  	s2 =	sld [smem:$0x3F91];
	s0 =	simm.s32 @p1 $0x1  }
0x15: {  	[smem:$0x3FAE] =	sst s0;
	s0 =	simm.s32 @!p2 $0x0  }
0x16: {  	s3 =	sld [smem:$0x3FDB];
	s0 =	simm.s32 @p2 $0x1  }
0x17: {  	s4 =	simm.s32 $0x1BF5;
	[smem:$0x3FB0] =	sst s0  }
0x18: {  	s0 =	sld [smem:$0x3F93];
	_ =	swait.ge [sflag:s4], $0x0  }
0x19: {  	s7 =	sld [smem:$0x3F94]  }
0x1a: {  	s8 =	sadd.s32 $0xFFFFE003, lr  }
0x1b: {  	s9 =	sadd.s32 $0xFFFFFEF7, lr;
	s5 =	simm.s32 $0xFFFFFFFF;
	p2 =	slt.u32 s8, $0xFFFFF086  }
0x1c: {  	p1 =	slt.u32 s9, $0xF7A;
	s5 =	simm.s32 @!p2 $0x0  }
0x1d: {  	s5 =	simm.s32 @p1 $0x1;
	p0 =	seq.s32 s7, s2  }
0x1e: {  	s7 =	smul.u32 @!p0 $0xF7A, s2;
	p2 =	seq.s32 @!p0 s5, $0x0  }
0x1f: {  	s9 =	smul.u32 $0xF7A, s1;
	s8 =	simm.s32 @!p0 $0x1BF5;
	p2 =	por !p2, p0  }
0x20: {  	[sflag:s8] =	ssyncset.s32 @!p0 $0xFFFFF086;
	s6 =	sadd.s32 @!p0 s3, s7;
	s7 =	simm.s32 @!p0 $0x108  }
0x21: {  	s3 =	sadd.s32 s3, s9;
	s6 =	sadd.s32 @!p0 $0x88, s6;
	s7 =	simm.s32 @p2 $0x1082  }
0x22: {  	[simem:s7], [sflag:s8] =	dma.local @!p0 [hbm:s6], $0xF7A  }
0x23: {  	s9 =	sor.u32 $0xD0000000, s2;
	s6 =	simm.s32 $0x108;
	_ =	swait.ge @!p0 [sflag:s8], $0x0  }
0x24: {  	s3 =	sadd.s32 $0x88, s3;
	s6 =	simm.s32 @!p1 $0x1082;
	[sflag:s4] =	ssyncset.s32 $0xFFFFF086  }
0x25: {  	[simem:s6], [sflag:s4] =	dma.local [hbm:s3], $0xF7A  }
0x26: {  	[smem:$0x3F94] =	sst s1;
	(tag) =	ssettag s2;
	_ =	strace s9  }
0x27: {  	s1 =	sld [smem:$0x3FA4]  }
0x28: {  	s2 =	sld [smem:$0x3FA5]  }
0x29: {  	s4 =	sld [smem:$0x3FA7]  }
0x2a: {  	p0 =	seq.s32 s5, $0x0;
	s5 =	sld [smem:$0x3FA8]  }
0x2b: {  	s6 =	sld [smem:$0x3FA9]  }
0x2c: {  	s7 =	sld [smem:$0x3FAA]  }
0x2d: {  	s3 =	simm.s32 $0x108;
	s8 =	sld [smem:$0x3FAB]  }
0x2e: {  	s3 =	simm.s32 @!p0 $0x1082;
	s9 =	sld [smem:$0x3FAC]  }
0x2f: {  	lr =	sadd.s32 s0, s3;
	s0 =	sld [smem:$0x3FA3]  }
0x30: {  	s3 =	sld [smem:$0x3FA6]  }
0x31: {  	[smem:$0x3FAF] =	sst s10  }
0x32: {  	s10 =	sld [smem:$0x3FAD];
	_ =	sdelay $0x3  }
0x33: {  	p0 =	seq.s32 s10, $0x1;
	s10 =	sld [smem:$0x3FAF];
	_ =	sdelay $0x3  }
0x34: {  	[smem:$0x3FAF] =	sst s10  }
0x35: {  	s10 =	sld [smem:$0x3FAE];
	_ =	sdelay $0x3  }
0x36: {  	p1 =	seq.s32 s10, $0x1;
	s10 =	sld [smem:$0x3FAF];
	_ =	sdelay $0x3  }
0x37: {  	[smem:$0x3FAF] =	sst s10  }
0x38: {  	s10 =	sld [smem:$0x3FB0]  }
0x39: {  	_ = 	snop;
	(pc) =	sbr.ind lr, $3  }
0x3a: {  	_ = 	snop  }
0x3b: {  	_ = 	snop  }
0x3c: {  	p2 =	seq.s32 s10, $0x1;
	s10 =	sld [smem:$0x3FAF]  }
0x3d: {  	_ =	shalt  }
0x3e: {  	_ =	shalt  }
0x3f: {  	_ =	shalt  }
0x40: {  	_ =	shalt  }
0x41: {  	_ =	shalt  }
0x42: {  	_ =	shalt  }
0x43: {  	_ =	shalt  }
0x44: {  	_ =	shalt  }
0x45: {  	_ =	shalt  }
0x46: {  	_ =	shalt  }
0x47: {  	_ =	shalt  }
0x48: {  	_ =	shalt  }
0x49: {  	_ =	shalt  }
0x4a: {  	_ =	shalt  }
0x4b: {  	_ =	shalt  }
0x4c: {  	_ =	shalt  }
0x4d: {  	_ =	shalt  }
0x4e: {  	_ =	shalt  }
0x4f: {  	_ =	shalt  }
0x50: {  	_ =	shalt  }
0x51: {  	_ =	shalt  }
0x52: {  	_ =	shalt  }
0x53: {  	_ =	shalt  }
0x54: {  	_ =	shalt  }
0x55: {  	_ =	shalt  }
0x56: {  	_ =	shalt  }
0x57: {  	_ =	shalt  }
0x58: {  	_ =	shalt  }
0x59: {  	_ =	shalt  }
0x5a: {  	_ =	shalt  }
0x5b: {  	_ =	shalt  }
0x5c: {  	_ =	shalt  }
0x5d: {  	_ =	shalt  }
0x5e: {  	_ =	shalt  }
0x5f: {  	_ =	shalt  }
0x60: {  	_ =	shalt  }
0x61: {  	_ =	shalt  }
0x62: {  	_ =	shalt  }
0x63: {  	_ =	shalt  }
0x64: {  	_ =	shalt  }
0x65: {  	_ =	shalt  }
0x66: {  	_ =	shalt  }
0x67: {  	_ =	shalt  }
0x68: {  	_ =	shalt  }
0x69: {  	_ =	shalt  }
0x6a: {  	_ =	shalt  }
0x6b: {  	_ =	shalt  }
0x6c: {  	_ =	shalt  }
0x6d: {  	_ =	shalt  }
0x6e: {  	_ =	shalt  }
0x6f: {  	_ =	shalt  }
0x70: {  	_ =	shalt  }
0x71: {  	_ =	shalt  }
0x72: {  	_ =	shalt  }
0x73: {  	_ =	shalt  }
0x74: {  	_ =	shalt  }
0x75: {  	_ =	shalt  }
0x76: {  	_ =	shalt  }
0x77: {  	_ =	shalt  }
0x78: {  	_ =	shalt  }
0x79: {  	_ =	shalt  }
0x7a: {  	_ =	shalt  }
0x7b: {  	_ =	shalt  }
0x7c: {  	_ =	shalt  }
0x7d: {  	_ =	shalt  }
0x7e: {  	_ =	shalt  }
0x7f: {  	_ =	shalt  }
0x80: {  	_ =	shalt  }
0x81: {  	_ =	shalt  }
0x82: {  	_ =	shalt  }
0x83: {  	_ =	shalt  }
0x84: {  	_ =	shalt  }
0x85: {  	_ =	shalt  }
0x86: {  	_ =	shalt  }
0x87: {  	_ =	shalt  }
.Lfunc_end0:
.L_simem_size_0:
called_computation_lowered:
.L_overlay_start_0:
0x88: {  	s2 =	sld [smem:$0x3FD9]  }
0x89: {  	s3 =	sld [smem:$0x3FFE];
	_ =	sdelay $0x1  }
0x8a: {  	s1 =	srdreg.scid  }
0x8b: {  	s0 =	sand.u32 $0x1, s1  }
0x8c: {  	s16 =	sshll.u32 s0, $0xA;
	s2 =	sadd.s32 s3, s2  }
0x8d: {  	s2 =	sadd.s32 s2, s16  }
0x8e: {  	[smem:$0x3FBB] =	sst s2  }
0x8f: {  	_ = 	snop  }
0x90: {  	(tm) =	ssettm $0x1  }
0x91: {  	s17 =	sld [smem:$0x3FFB];
	_ =	sdelay $0x3  }
0x92: {  	_ =	strace s17  }
0x93: {  	s2 =	sld [smem:$0x3FFC];
	_ =	sdelay $0x3  }
0x94: {  	_ =	strace s2  }
0x95: {  	s2 =	sld [smem:$0x3FFD];
	_ =	sdelay $0x3  }
0x96: {  	_ =	strace s2  }
0x97: {  	_ =	strace $0x8FFFFFFF  }
0x98: {  	s18 =	sld [smem:$0x3FDB];
	_ =	sdelay $0x1  }
0x99: {  	s19 =	simm.s32 $_scs_section_size  }
0x9a: {  	s4 =	simm.s32 $_size__tile_overlayer_lowered;
	s5 =	simm.s32 $_tile_overlayer_lowered  }
0x9b: {  	s22 =	simm.s32 $0x1BFF;
	s21 =	sshll.u32 s5, $0x1;
	s2 =	sadd.s32 s19, s18  }
0x9c: {  	s6 =	simm.s32 $0x0;
	s20 =	sshll.u32 s4, $0x1;
	s4 =	sadd.s32 s21, s2  }
0x9d: {  	[timem:s6], [sflag:s22] =	dma.local [hbm:s4], s20  }
0x9e: {  	_ =	swait.ge [sflag:s22], s20  }
0x9f: {  	s3 =	ssub.s32 $0x0, s20;
	[sflag:s22] =	ssyncset.done $0x0  }
0xa0: {  	[sflag:s22] =	ssyncadd.s32 s3;
	_ =	sdelay $0x1  }
0xa1: {  	s23 =	simm.s32 $0x1B8B  }
0xa2: {  	_ =	swait.ge [sflag:s23], $0x1  }
0xa3: {  	[sflag:s23] =	ssyncset.done $0x0  }
0xa4: {  	s25 =	simm.s32 $0x1B8E;
	s24 =	sld [smem:$0x3FFE];
	[sflag:s23] =	ssyncadd.s32 $0xFFFFFFFF  }
0xa5: {  	s26 =	simm.s32 $execute0_lowered;
	[smem:$0x3FD2] =	sst s25  }
0xa6: {  	s4 =	sshll.u32 s26, $0x1;
	_ =	strace $0x80000046;
	[dreg:$0x1] =	wrdreg $0xFFFFFFFF  }
0xa7: {  	s28 =	simm.s32 $_size_execute0_lowered;
	s2 =	sadd.s32 s2, s4;
	[dreg:$0x0] =	wrdreg $0x0  }
0xa8: {  	s4 =	sshll.u32 s28, $0x1;
	[dreg:$0x2] =	wrdreg s2  }
0xa9: {  	[dreg:$0x3] =	wrdreg s4  }
0xaa: {  	[dreg:$0x4] =	wrdreg $0xC0  }
0xab: {  	_ =	task [dreg:s6], $0x5FFFF  }
0xac: {  	[dreg:$0x1] =	wrdreg $0xFFFFFFFF  }
0xad: {  	[dreg:$0x0] =	wrdreg $0x60  }
0xae: {  	[dreg:$0x2] =	wrdreg s24  }
0xaf: {  	[dreg:$0x3] =	wrdreg $0x9  }
0xb0: {  	_ =	task.clear_ibuf [dreg:s6], $0x4FFFF;
	_ =	strace $0x90000046  }
0xb1: {  	s29 =	simm.s32 $0x9;
	_ =	strace $0x80000048  }
0xb2: {  	_ =	swait.ge [sflag:s29], $0x1  }
0xb3: {  	[sflag:s29] =	ssyncadd.s32 $0xFFFFFFFF  }
0xb4: {  	_ =	strace $0x90000048  }
0xb5: {  	_ =	sfence  }
0xb6: {  	s30 =	sld [smem:$0x0];
	_ =	sdelay $0x2  }
0xb7: {  	s31 =	sshll.u32 s1, $0xD;
	s1 =	sshrl.u32 s1, $0x2  }
0xb8: {  	s3 =	sand.u32 $0x4000, s31;
	s1 =	sadd.s32 s1, s30  }
0xb9: {  	s0 =	sor.u32 s3, s0;
	s1 =	sshll.u32 s1, $0x11  }
0xba: {  	s0 =	sor.u32 s1, s0  }
0xbb: {  	s0 =	sadd.s32 $0x8F2B, s0  }
0xbc: {  	[sflag:s0] =	ssyncadd.remote.s32 $0x1  }
0xbd: {  	_ =	sfence.sel $0xFFFF  }
0xbe: {  	[dreg:$0x0] =	wrdreg $0xFFFFFFFF;
	(pc) =	sbr.abs _section_cstart, $3  }
0xbf: {  	[dreg:$0x1] =	wrdreg $0xFFFFFFFF  }
0xc0: {  	_ =	task.clear_ibuf [dreg:s6], $0x2FFFF;
	_ =	strace $0x9FFFFFFF  }
0xc1: {  	(tm) =	ssettm $0x7FFFFFFF  }
tec
execute0_lowered:
.L_overlay_start_1:
0x0: {  	(tag) =	ssettag $0x1  }
0x1: {  	s1 =	srdreg.scid  }
0x2: {  	s0 =	stileid.u32;
	s4 =	rddreg [dreg:$0x0];
	s8 =	simm.s32 $0x1  }
0x3: {  	s9 =	simm.s32 $0x80;
	s10 =	simm.s32 $0x400;
	s11 =	simm.s32 $0x0  }
0x4: {  	s3 =	sand.u32 $0x1, s1;
	s2 =	sshll.u32 s0, $0x1;
	s1 =	rddreg [dreg:$0x1]  }
0x5: {  	s6 =	sshrl.u32 s0, $0x2;
	s5 =	sor.u32 s3, s2;
	s2 =	simm.s32 $0x0  }
0x6: {  	s6 =	smul.u32 $0x13C00, s6;
	s30 =	ssub.s32 $0x2, s3;
	s7 =	sshll.u32 s5, $0x7  }
0x7: {  	s3 =	sadd.s32 $0xD400, s4;
	s5 =	smul.u32 $0x4F0, s5;
	s7 =	sand.u32 $0x380, s7  }
0x8: {  	[smem:$0x7FF] =	sst s2;
	s31 =	sshrl.u32 s30, $0x1;
	s6 =	sor.u32 s6, s7  }
0x9: {  	_ =	strace $0x80000047;
	s5 =	sadd.s32 s5, s4;
	s6 =	sshrl.u32 s6, $0x3  }
0xa: {  	s7 =	ssub.s32 s30, s31;
	s6 =	sadd.s32 s6, s4;
	s4 =	sadd.s32 $0x3600, s5  }
0xb: {  	v0 =	vimm.f32 $1.000000000e+00;
	s5 =	sadd.s32 $0xDA00, s6;
	s6 =	smax.u32 s7, $0x1;
	s7 =	simm.s32 $0x2780  }
.LBB2_1:
0xc: {  	[tilespmem:s7], [sflag:$0x1] =	stream.linear.gather [hbm4b:s3+s2], $0x2780, $0x38;
	[tilespmem:$0x4F00] =	vst v63  }
0xd: {  	_ =	swait.ge [sflag:s8], $0x2780  }
0xe: {  	[sflag:s8] =	ssyncset.done $0x0  }
0xf: {  	[sflag:s8] =	ssyncadd.s32 $0xFFFFD880  }
0x10: {  	[tilespmem:s2], [sflag:$0x1] =	stream.linear.gather [hbm4b:s4+s2], $0x2780, $0x38;
	[tilespmem:$0x4F00] =	vst v63  }
0x11: {  	_ =	swait.ge [sflag:s8], $0x2780  }
0x12: {  	[sflag:s8] =	ssyncset.done $0x0  }
0x13: {  	s13 =	simm.s32 $0x0;
	s12 =	simm.s32 $0x40;
	[sflag:s8] =	ssyncadd.s32 $0xFFFFD880  }
.LBB2_2:
0x14: {  	p0 =	sne.s32 s12, $0x9DC0;
	v1 =	vld [tilespmem:s13+$0x0];
	_ =	sdelay $0x3  }
.Ltmp0:
0x15: {  	(pc) =	sbr.rel @p0 .LBB2_2-.Ltmp0, $2  }
0x16: {  	_ =	sdelay $0x2  }
0x17: {  	s13 =	sshra.s32 s12, $0x2;
	s12 =	sadd.s32 $0x40, s12;
	[tilespmem:v1+s7+$0x0] =	vst.idx.add.f32.msk $0xffff, v0  }
0x18: {  	v1 =	vld [tilespmem:s13+$0x0];
	_ =	sdelay $0x5  }
0x19: {  	s11 =	sadd.s32 $0x1, s11  }
0x1a: {  	p0 =	sne.s32 s11, s6  }
.Ltmp1:
0x1b: {  	[tilespmem:v1+s7+$0x0] =	vst.idx.add.f32.msk $0xffff, v0;
	(pc) =	sbr.rel @p0 .LBB2_1-.Ltmp1, $4  }
0x1c: {  	[hbm4b:s5+s9] =	stream.strided.scatter [tilespmem:s7], [sflag:$0x1], $0x2780, s10, s9, $0x38;
	[tilespmem:$0x4F00] =	vst v63  }
0x1d: {  	_ =	swait.ge [sflag:s8], $0x2780  }
0x1e: {  	[sflag:s8] =	ssyncset.done $0x0  }
0x1f: {  	[sflag:s8] =	ssyncadd.s32 $0xFFFFD880  }
0x20: {  	_ =	sfence.sel $0x180000  }
0x21: {  	[bflag:$0x0] =	sbarrier.arrive $0xFFFF  }
0x22: {  	p0 =	sne.s32 s0, $0x0;
	_ =	strace $0x90000047  }
0x23: {  	s0 =	sadd.s32 @!p0 $0x100000, s1;
	[bflag:$0x2] =	sbarrier.arrive $0xFFFF  }
0x24: {  	[sflag:s0] =	ssyncadd.tile.s32 @!p0 $0x1;
	_ =	shalt  }
.Lfunc_end2:
_tile_overlayer_lowered:
.L_overlay_start_2:
0x25: {  	(tag) =	ssettag $0x2  }
0x26: {  	s0 =	rddreg [dreg:$0x0];
	s2 =	stileid.u32  }
0x27: {  	s1 =	rddreg [dreg:$0x1];
	p0 =	sne.s32 s2, $0x0  }
0x28: {  	s3 =	rddreg [dreg:$0x2];
	[bflag:$0x3] =	sbarrier.arrive $0xFFFF;
	s2 =	simm.s32 @!p0 $0x1C01  }
0x29: {  	[timem:s3], [sflag:s2] =	dma.local @!p0 [hbm:s0], s1  }
0x2a: {  	s0 =	simm.s32 @!p0 $0x1  }
0x2b: {  	_ =	swait.ge @!p0 [sflag:s0], s1  }
0x2c: {  	s1 =	ssub.s32 @!p0 $0x0, s1;
	[sflag:s0] =	ssyncset.done @!p0 $0x0  }
0x2d: {  	[sflag:s0] =	ssyncadd.s32 @!p0 s1  }
0x2e: {  	[bflag:$0x3] =	sbarrier.arrive $0xFFFF  }
0x2f: {  	_ =	shalt  }

</sc_bundles>
